<compile_context>
chip_gen: v7x
topology: tpu7x:2x2x1
jax: 0.10.2.dev20260603
libtpu: 0.0.44.dev20260713+nightly
codegen_flags: <defaults>
</compile_context>

<pallas_src>
import functools

import jax
import jax.numpy as jnp
from jax import lax
from jax.experimental import pallas as pl
from jax.experimental.pallas import tpu as pltpu
from jax.experimental.pallas import tpu_sc as plsc

_K = 16384
_M = 1000000
_D = 70
_DP = 128
_NC = 2
_NS = 16
_NW = _NC * _NS
_TN = _M // _NW
_L = 16
_C = 128
_KB = 14
_NEG = -(2**31)


@jax.jit
def _sc_update_gather(indices, newcat):
    mesh = plsc.VectorSubcoreMesh(
        core_axis_name="c", subcore_axis_name="s",
        num_cores=_NC, num_subcores=_NS)

    @functools.partial(
        pl.kernel,
        out_type=jax.ShapeDtypeStruct((_K, _DP), jnp.float32),
        mesh=mesh,
        compiler_params=pltpu.CompilerParams(needs_layout_passes=False,
                                             use_tc_tiling_on_sc=False),
        scratch_types=[
            pltpu.VMEM((_K,), jnp.int32),
            pltpu.VMEM((_TN + _L,), jnp.int32),
            pltpu.VMEM((_K,), jnp.int32),
            pltpu.VMEM((_K,), jnp.int32),
            pltpu.VMEM((2, _C, _DP), jnp.float32),
            pltpu.VMEM((2, _C), jnp.int32),
            pltpu.SemaphoreType.DMA,
            pltpu.SemaphoreType.DMA,
        ],
    )
    def body(idx_hbm, newcat_hbm, out_hbm,
             idx_v, table_v, comp_v, w_v, rows_v, kch_v, gsem, ssem):
        wid = lax.axis_index("s") * _NC + lax.axis_index("c")
        base = (wid * _TN).astype(jnp.int32)
        lanes = lax.iota(jnp.int32, _L)

        pltpu.sync_copy(idx_hbm, idx_v)

        def scan_body(i, off):
            for u in range(8):
                j = i * 8 + u
                idxv = idx_v[pl.ds(j * _L, _L)]
                loc = idxv - base
                owned = (loc >= 0) & (loc < _TN)
                keyv = jnp.clip(loc, 0, _TN - 1) * (2**_KB) + lanes + j * _L
                plsc.store_compressed(comp_v.at[pl.ds(off, _L)], keyv,
                                      mask=owned)
                off = off + plsc.all_reduce_population_count(owned)[0]
            return off

        cnt = lax.fori_loop(0, _K // _L // 8, scan_body, jnp.int32(0))

        nch = (cnt + _C - 1) // _C
        key0 = comp_v[pl.ds(0, _L)]
        key0b = jnp.full((_L,), jnp.max(jnp.where(lanes == 0, key0, _NEG)),
                         jnp.int32)

        def pad_body(j, _):
            pos = j * _L + lanes
            cur = comp_v[pl.ds(j * _L, _L)]
            comp_v[pl.ds(j * _L, _L)] = jnp.where(pos >= cnt, key0b, cur)
            return 0

        nv = nch * (_C // _L)
        lax.fori_loop(cnt // _L, nv, pad_body, 0)

        sent = jnp.int32(_TN * (2**_KB))
        shift1 = jnp.minimum(lanes + 1, _L - 1)

        def win_body(i, _):
            keyv = comp_v[pl.ds(i * _L, _L)]
            keyv = jnp.where(i * _L + lanes < cnt, keyv, sent)
            skey = plsc.sort_key_val(keyv, keyv)[0]
            sloc = skey // (2**_KB)
            snxt = sloc.at[shift1].get(mode="promise_in_bounds")
            last = (lanes == _L - 1) | (sloc != snxt)
            plsc.store_scatter(table_v, [sloc], skey & (2**_KB - 1),
                               mask=last)
            return 0

        lax.fori_loop(0, (cnt + _L - 1) // _L, win_body, 0)

        def wg_body(i, _):
            lv = comp_v[pl.ds(i * _L, _L)] // (2**_KB)
            w_v[pl.ds(i * _L, _L)] = plsc.load_gather(table_v, [lv])
            return 0

        lax.fori_loop(0, nv, wg_body, 0)

        def fill_kch(ch, b):
            def cp_body(j, _):
                kch_v.at[b][pl.ds(j * _L, _L)] = (
                    comp_v[pl.ds(ch * _C + j * _L, _L)] & (2**_KB - 1))
                return 0

            lax.fori_loop(0, _C // _L, cp_body, 0)

        def gather_start(ch, b):
            return pltpu.async_copy(
                newcat_hbm.at[w_v.at[pl.ds(ch * _C, _C)]],
                rows_v.at[b], gsem)

        @pl.when(nch > 0)
        def _():
            gather_start(0, 0).wait()
            fill_kch(0, 0)

            def row_body(ch, _):
                b = ch % 2
                g = gather_start(ch + 1, 1 - b)
                pltpu.async_copy(rows_v.at[b], out_hbm.at[kch_v.at[b]],
                                 ssem).wait()
                g.wait()
                fill_kch(ch + 1, 1 - b)
                return 0

            lax.fori_loop(0, nch - 1, row_body, 0)
            bl = (nch - 1) % 2
            pltpu.async_copy(rows_v.at[bl], out_hbm.at[kch_v.at[bl]],
                             ssem).wait()

    return body(indices, newcat)


def kernel(positions, velocities, features, indices,
           new_positions, new_velocities, new_features):
    del positions, velocities, features
    newcat = jnp.concatenate(
        [new_positions, new_velocities, new_features,
         jnp.zeros((_K, _DP - _D), jnp.float32)], axis=1)
    out = _sc_update_gather(indices.astype(jnp.int32), newcat)
    return out[:, :_D]

# --- scband reference (transcript-rebuilt; emitter-appended) ---
"""Pipeline reference for scband-object-memory-bank-4818953306591 (READ-ONLY COPY).

The authoritative reference and input builder live on the scoring server;
editing this copy changes nothing except your own understanding.
"""

import jax, jax.numpy as jnp
import numpy as np

MAX_OBJECTS = 1000000
FEATURE_DIM = 64
K = 16384


def setup_inputs(seed: int = 0) -> dict:
    key = jax.random.key(seed)
    k1, k2, k3, k4, k5, k6, k7 = jax.random.split(key, 7)
    positions = jax.random.normal(k1, (MAX_OBJECTS, 4), dtype=jnp.float32)
    velocities = jax.random.normal(k2, (MAX_OBJECTS, 2), dtype=jnp.float32)
    features = jax.random.normal(k3, (MAX_OBJECTS, FEATURE_DIM), dtype=jnp.float32)
    indices = jax.random.randint(k4, (K,), 0, MAX_OBJECTS, dtype=jnp.int64) if jax.config.jax_enable_x64 else jax.random.randint(k4, (K,), 0, MAX_OBJECTS, dtype=jnp.int32)
    new_positions = jax.random.normal(k5, (K, 4), dtype=jnp.float32)
    new_velocities = jax.random.normal(k6, (K, 2), dtype=jnp.float32)
    new_features = jax.random.normal(k7, (K, FEATURE_DIM), dtype=jnp.float32)
    return {
        'positions': positions,
        'velocities': velocities,
        'features': features,
        'indices': indices,
        'new_positions': new_positions,
        'new_velocities': new_velocities,
        'new_features': new_features,
    }


def reference(positions, velocities, features, indices, new_positions, new_velocities, new_features):
    # ObjectMemoryBank.update_positions / update_velocities / update_features:
    # scatter-overwrite into the memory bank rows selected by `indices`.
    positions_upd = positions.at[indices].set(new_positions)
    velocities_upd = velocities.at[indices].set(new_velocities)
    features_upd = features.at[indices].set(new_features)
    # Read back the updated state for the touched objects (gather), analogous to
    # get_active_objects() restricted to the updated indices.
    gathered_pos = jnp.take(positions_upd, indices, axis=0)
    gathered_vel = jnp.take(velocities_upd, indices, axis=0)
    gathered_feat = jnp.take(features_upd, indices, axis=0)
    out = jnp.concatenate([gathered_pos, gathered_vel, gathered_feat], axis=-1)  # [K, 4+2+D]
    return out

if __name__ == "__main__":
    import jax
    _d = setup_inputs()
    print(jax.jit(kernel)(*tuple(_d.values())))

</pallas_src>

<mosaic_0001>
#map = affine_map<(d0, d1) -> (0)>
#map1 = affine_map<(d0, d1) -> (0, 0)>
module attributes {stable_mosaic.version = 14 : i64} {
  func.func @body(%arg0: i32, %arg1: i32, %arg2: memref<16384xi32, #tpu.memory_space<hbm>>, %arg3: memref<16384x128xf32, #tpu.memory_space<hbm>>, %arg4: memref<16384x128xf32, #tpu.memory_space<hbm>>, %arg5: memref<16384xi32, #tpu.memory_space<vmem>>, %arg6: memref<31266xi32, #tpu.memory_space<vmem>>, %arg7: memref<16384xi32, #tpu.memory_space<vmem>>, %arg8: memref<16384xi32, #tpu.memory_space<vmem>>, %arg9: memref<2x128x128xf32, #tpu.memory_space<vmem>>, %arg10: memref<2x128xi32, #tpu.memory_space<vmem>>, %arg11: memref<!tpu.dma_semaphore, #tpu.memory_space<semaphore_mem>>, %arg12: memref<!tpu.dma_semaphore, #tpu.memory_space<semaphore_mem>>) attributes {dimension_semantics = [#tpu.dimension_semantics<core_parallel>, #tpu.dimension_semantics<subcore_parallel>], iteration_bounds = array<i64: 2, 16>, scalar_prefetch = 0 : i64, scratch_operands = 8 : i64, tpu.core_type = #tpu.core_type<sc_vector_subcore>, window_params = [{transform_indices = #map}, {transform_indices = #map1}, {transform_indices = #map1}]} {
    %mul3A = arith.constant 2 : i32
    %mul3A_0 = arith.muli %arg1, %mul3A : i32
    %add3A = arith.addi %mul3A_0, %arg0 : i32
    %mul3A_1 = arith.constant 31250 : i32
    %mul3A_2 = arith.muli %add3A, %mul3A_1 : i32
    %iota3A = tpu.iota {dimensions = array<i32: 0>} : vector<16xi32>
    "tpu.region"() ({
      %run_scoped3A = tpu.sem_alloc : memref<!tpu.dma_semaphore, #tpu.memory_space<semaphore_mem>>
      tpu.enqueue_dma source(%arg2 : memref<16384xi32, #tpu.memory_space<hbm>>) target(%arg5 : memref<16384xi32, #tpu.memory_space<vmem>>) target_semaphore(%run_scoped3A : memref<!tpu.dma_semaphore, #tpu.memory_space<semaphore_mem>>)
      tpu.wait_dma2 semaphore(%run_scoped3A : memref<!tpu.dma_semaphore, #tpu.memory_space<semaphore_mem>>) src(%arg2 : memref<16384xi32, #tpu.memory_space<hbm>>) dst(%arg5 : memref<16384xi32, #tpu.memory_space<vmem>>)
      tpu.yield
    }) : () -> ()
    %scan3A = arith.constant 0 : i32
    %scan3A_3 = arith.constant 0 : i32
    %scan3A_4 = arith.constant 128 : i32
    %scan3A_5 = arith.addi %scan3A_3, %scan3A_4 : i32
    %scan3A_6 = arith.constant 1 : i32
    %scan3A_7 = scf.for %scan3A_138 = %scan3A_3 to %scan3A_5 step %scan3A_6 iter_args(%scan3A_139 = %scan3A) -> (i32)  : i32 {
      %mul3A_140 = arith.constant 8 : i32
      %mul3A_141 = arith.muli %scan3A_138, %mul3A_140 : i32
      %add3A_142 = arith.constant 0 : i32
      %add3A_143 = arith.addi %mul3A_141, %add3A_142 : i32
      %mul3A_144 = arith.constant 16 : i32
      %mul3A_145 = arith.muli %add3A_143, %mul3A_144 : i32
      %get3A_146 = arith.index_cast %mul3A_145 : i32 to index
      %get3A_147 = tpu.vector_load %arg5[%get3A_146] {strides = array<i32>} : memref<16384xi32, #tpu.memory_space<vmem>>, vector<16xi32>,
      %sub3A_148 = vector.broadcast %mul3A_2 : i32 to vector<16xi32>
      %sub3A_149 = arith.subi %get3A_147, %sub3A_148 : vector<16xi32>
      %ge3A = arith.constant 0 : i32
      %ge3A_150 = vector.broadcast %ge3A : i32 to vector<16xi32>
      %ge3A_151 = arith.cmpi sge, %sub3A_149, %ge3A_150 : vector<16xi32>
      %lt3A = arith.constant 31250 : i32
      %lt3A_152 = vector.broadcast %lt3A : i32 to vector<16xi32>
      %lt3A_153 = arith.cmpi slt, %sub3A_149, %lt3A_152 : vector<16xi32>
      %and3A_154 = arith.andi %ge3A_151, %lt3A_153 : vector<16xi1>
      %jit3A_155 = arith.constant 0 : i32
      %jit3A_156 = arith.constant 31249 : i32
      %max3A = vector.broadcast %jit3A_155 : i32 to vector<16xi32>
      %max3A_157 = arith.maxsi %max3A, %sub3A_149 : vector<16xi32>
      %min3A_158 = vector.broadcast %jit3A_156 : i32 to vector<16xi32>
      %min3A_159 = arith.minsi %min3A_158, %max3A_157 : vector<16xi32>
      %mul3A_160 = arith.constant 16384 : i32
      %mul3A_161 = vector.broadcast %mul3A_160 : i32 to vector<16xi32>
      %mul3A_162 = arith.muli %min3A_159, %mul3A_161 : vector<16xi32>
      %add3A_163 = arith.addi %mul3A_162, %iota3A : vector<16xi32>
      %mul3A_164 = arith.constant 16 : i32
      %mul3A_165 = arith.muli %add3A_143, %mul3A_164 : i32
      %add3A_166 = vector.broadcast %mul3A_165 : i32 to vector<16xi32>
      %add3A_167 = arith.addi %add3A_163, %add3A_166 : vector<16xi32>
      %swap3A = arith.index_cast %scan3A_139 : i32 to index
      %swap3A_168 = tpu.vector_load %arg7[%swap3A] masked %and3A_154 {strides = array<i32>} : memref<16384xi32, #tpu.memory_space<vmem>>, vector<16xi32>, vector<16xi1>
      tpu.vector_store %arg7[%swap3A], %add3A_167 masked %and3A_154 {strides = array<i32>} : memref<16384xi32, #tpu.memory_space<vmem>>, vector<16xi32>, vector<16xi1>
      %all_reduce_population_count3A = tpu.all_reduce %and3A_154 {dim = 0 : i64, kind = #tpu.reduction_kind<sum>} : vector<16xi1> -> vector<16xi32>
      %slice3A = vector.extract_strided_slice %all_reduce_population_count3A {offsets = [0], sizes = [1], strides = [1]} : vector<16xi32> to vector<1xi32>
      %squeeze3A = vector.extract %slice3A[0] : i32 from vector<1xi32>
      %add3A_169 = arith.addi %scan3A_139, %squeeze3A : i32
      %mul3A_170 = arith.constant 8 : i32
      %mul3A_171 = arith.muli %scan3A_138, %mul3A_170 : i32
      %add3A_172 = arith.constant 1 : i32
      %add3A_173 = arith.addi %mul3A_171, %add3A_172 : i32
      %mul3A_174 = arith.constant 16 : i32
      %mul3A_175 = arith.muli %add3A_173, %mul3A_174 : i32
      %get3A_176 = arith.index_cast %mul3A_175 : i32 to index
      %get3A_177 = tpu.vector_load %arg5[%get3A_176] {strides = array<i32>} : memref<16384xi32, #tpu.memory_space<vmem>>, vector<16xi32>,
      %sub3A_178 = vector.broadcast %mul3A_2 : i32 to vector<16xi32>
      %sub3A_179 = arith.subi %get3A_177, %sub3A_178 : vector<16xi32>
      %ge3A_180 = arith.constant 0 : i32
      %ge3A_181 = vector.broadcast %ge3A_180 : i32 to vector<16xi32>
      %ge3A_182 = arith.cmpi sge, %sub3A_179, %ge3A_181 : vector<16xi32>
      %lt3A_183 = arith.constant 31250 : i32
      %lt3A_184 = vector.broadcast %lt3A_183 : i32 to vector<16xi32>
      %lt3A_185 = arith.cmpi slt, %sub3A_179, %lt3A_184 : vector<16xi32>
      %and3A_186 = arith.andi %ge3A_182, %lt3A_185 : vector<16xi1>
      %jit3A_187 = arith.constant 0 : i32
      %jit3A_188 = arith.constant 31249 : i32
      %max3A_189 = vector.broadcast %jit3A_187 : i32 to vector<16xi32>
      %max3A_190 = arith.maxsi %max3A_189, %sub3A_179 : vector<16xi32>
      %min3A_191 = vector.broadcast %jit3A_188 : i32 to vector<16xi32>
      %min3A_192 = arith.minsi %min3A_191, %max3A_190 : vector<16xi32>
      %mul3A_193 = arith.constant 16384 : i32
      %mul3A_194 = vector.broadcast %mul3A_193 : i32 to vector<16xi32>
      %mul3A_195 = arith.muli %min3A_192, %mul3A_194 : vector<16xi32>
      %add3A_196 = arith.addi %mul3A_195, %iota3A : vector<16xi32>
      %mul3A_197 = arith.constant 16 : i32
      %mul3A_198 = arith.muli %add3A_173, %mul3A_197 : i32
      %add3A_199 = vector.broadcast %mul3A_198 : i32 to vector<16xi32>
      %add3A_200 = arith.addi %add3A_196, %add3A_199 : vector<16xi32>
      %swap3A_201 = arith.index_cast %add3A_169 : i32 to index
      %swap3A_202 = tpu.vector_load %arg7[%swap3A_201] masked %and3A_186 {strides = array<i32>} : memref<16384xi32, #tpu.memory_space<vmem>>, vector<16xi32>, vector<16xi1>
      tpu.vector_store %arg7[%swap3A_201], %add3A_200 masked %and3A_186 {strides = array<i32>} : memref<16384xi32, #tpu.memory_space<vmem>>, vector<16xi32>, vector<16xi1>
      %all_reduce_population_count3A_203 = tpu.all_reduce %and3A_186 {dim = 0 : i64, kind = #tpu.reduction_kind<sum>} : vector<16xi1> -> vector<16xi32>
      %slice3A_204 = vector.extract_strided_slice %all_reduce_population_count3A_203 {offsets = [0], sizes = [1], strides = [1]} : vector<16xi32> to vector<1xi32>
      %squeeze3A_205 = vector.extract %slice3A_204[0] : i32 from vector<1xi32>
      %add3A_206 = arith.addi %add3A_169, %squeeze3A_205 : i32
      %mul3A_207 = arith.constant 8 : i32
      %mul3A_208 = arith.muli %scan3A_138, %mul3A_207 : i32
      %add3A_209 = arith.constant 2 : i32
      %add3A_210 = arith.addi %mul3A_208, %add3A_209 : i32
      %mul3A_211 = arith.constant 16 : i32
      %mul3A_212 = arith.muli %add3A_210, %mul3A_211 : i32
      %get3A_213 = arith.index_cast %mul3A_212 : i32 to index
      %get3A_214 = tpu.vector_load %arg5[%get3A_213] {strides = array<i32>} : memref<16384xi32, #tpu.memory_space<vmem>>, vector<16xi32>,
      %sub3A_215 = vector.broadcast %mul3A_2 : i32 to vector<16xi32>
      %sub3A_216 = arith.subi %get3A_214, %sub3A_215 : vector<16xi32>
      %ge3A_217 = arith.constant 0 : i32
      %ge3A_218 = vector.broadcast %ge3A_217 : i32 to vector<16xi32>
      %ge3A_219 = arith.cmpi sge, %sub3A_216, %ge3A_218 : vector<16xi32>
      %lt3A_220 = arith.constant 31250 : i32
      %lt3A_221 = vector.broadcast %lt3A_220 : i32 to vector<16xi32>
      %lt3A_222 = arith.cmpi slt, %sub3A_216, %lt3A_221 : vector<16xi32>
      %and3A_223 = arith.andi %ge3A_219, %lt3A_222 : vector<16xi1>
      %jit3A_224 = arith.constant 0 : i32
      %jit3A_225 = arith.constant 31249 : i32
      %max3A_226 = vector.broadcast %jit3A_224 : i32 to vector<16xi32>
      %max3A_227 = arith.maxsi %max3A_226, %sub3A_216 : vector<16xi32>
      %min3A_228 = vector.broadcast %jit3A_225 : i32 to vector<16xi32>
      %min3A_229 = arith.minsi %min3A_228, %max3A_227 : vector<16xi32>
      %mul3A_230 = arith.constant 16384 : i32
      %mul3A_231 = vector.broadcast %mul3A_230 : i32 to vector<16xi32>
      %mul3A_232 = arith.muli %min3A_229, %mul3A_231 : vector<16xi32>
      %add3A_233 = arith.addi %mul3A_232, %iota3A : vector<16xi32>
      %mul3A_234 = arith.constant 16 : i32
      %mul3A_235 = arith.muli %add3A_210, %mul3A_234 : i32
      %add3A_236 = vector.broadcast %mul3A_235 : i32 to vector<16xi32>
      %add3A_237 = arith.addi %add3A_233, %add3A_236 : vector<16xi32>
      %swap3A_238 = arith.index_cast %add3A_206 : i32 to index
      %swap3A_239 = tpu.vector_load %arg7[%swap3A_238] masked %and3A_223 {strides = array<i32>} : memref<16384xi32, #tpu.memory_space<vmem>>, vector<16xi32>, vector<16xi1>
      tpu.vector_store %arg7[%swap3A_238], %add3A_237 masked %and3A_223 {strides = array<i32>} : memref<16384xi32, #tpu.memory_space<vmem>>, vector<16xi32>, vector<16xi1>
      %all_reduce_population_count3A_240 = tpu.all_reduce %and3A_223 {dim = 0 : i64, kind = #tpu.reduction_kind<sum>} : vector<16xi1> -> vector<16xi32>
      %slice3A_241 = vector.extract_strided_slice %all_reduce_population_count3A_240 {offsets = [0], sizes = [1], strides = [1]} : vector<16xi32> to vector<1xi32>
      %squeeze3A_242 = vector.extract %slice3A_241[0] : i32 from vector<1xi32>
      %add3A_243 = arith.addi %add3A_206, %squeeze3A_242 : i32
      %mul3A_244 = arith.constant 8 : i32
      %mul3A_245 = arith.muli %scan3A_138, %mul3A_244 : i32
      %add3A_246 = arith.constant 3 : i32
      %add3A_247 = arith.addi %mul3A_245, %add3A_246 : i32
      %mul3A_248 = arith.constant 16 : i32
      %mul3A_249 = arith.muli %add3A_247, %mul3A_248 : i32
      %get3A_250 = arith.index_cast %mul3A_249 : i32 to index
      %get3A_251 = tpu.vector_load %arg5[%get3A_250] {strides = array<i32>} : memref<16384xi32, #tpu.memory_space<vmem>>, vector<16xi32>,
      %sub3A_252 = vector.broadcast %mul3A_2 : i32 to vector<16xi32>
      %sub3A_253 = arith.subi %get3A_251, %sub3A_252 : vector<16xi32>
      %ge3A_254 = arith.constant 0 : i32
      %ge3A_255 = vector.broadcast %ge3A_254 : i32 to vector<16xi32>
      %ge3A_256 = arith.cmpi sge, %sub3A_253, %ge3A_255 : vector<16xi32>
      %lt3A_257 = arith.constant 31250 : i32
      %lt3A_258 = vector.broadcast %lt3A_257 : i32 to vector<16xi32>
      %lt3A_259 = arith.cmpi slt, %sub3A_253, %lt3A_258 : vector<16xi32>
      %and3A_260 = arith.andi %ge3A_256, %lt3A_259 : vector<16xi1>
      %jit3A_261 = arith.constant 0 : i32
      %jit3A_262 = arith.constant 31249 : i32
      %max3A_263 = vector.broadcast %jit3A_261 : i32 to vector<16xi32>
      %max3A_264 = arith.maxsi %max3A_263, %sub3A_253 : vector<16xi32>
      %min3A_265 = vector.broadcast %jit3A_262 : i32 to vector<16xi32>
      %min3A_266 = arith.minsi %min3A_265, %max3A_264 : vector<16xi32>
      %mul3A_267 = arith.constant 16384 : i32
      %mul3A_268 = vector.broadcast %mul3A_267 : i32 to vector<16xi32>
      %mul3A_269 = arith.muli %min3A_266, %mul3A_268 : vector<16xi32>
      %add3A_270 = arith.addi %mul3A_269, %iota3A : vector<16xi32>
      %mul3A_271 = arith.constant 16 : i32
      %mul3A_272 = arith.muli %add3A_247, %mul3A_271 : i32
      %add3A_273 = vector.broadcast %mul3A_272 : i32 to vector<16xi32>
      %add3A_274 = arith.addi %add3A_270, %add3A_273 : vector<16xi32>
      %swap3A_275 = arith.index_cast %add3A_243 : i32 to index
      %swap3A_276 = tpu.vector_load %arg7[%swap3A_275] masked %and3A_260 {strides = array<i32>} : memref<16384xi32, #tpu.memory_space<vmem>>, vector<16xi32>, vector<16xi1>
      tpu.vector_store %arg7[%swap3A_275], %add3A_274 masked %and3A_260 {strides = array<i32>} : memref<16384xi32, #tpu.memory_space<vmem>>, vector<16xi32>, vector<16xi1>
      %all_reduce_population_count3A_277 = tpu.all_reduce %and3A_260 {dim = 0 : i64, kind = #tpu.reduction_kind<sum>} : vector<16xi1> -> vector<16xi32>
      %slice3A_278 = vector.extract_strided_slice %all_reduce_population_count3A_277 {offsets = [0], sizes = [1], strides = [1]} : vector<16xi32> to vector<1xi32>
      %squeeze3A_279 = vector.extract %slice3A_278[0] : i32 from vector<1xi32>
      %add3A_280 = arith.addi %add3A_243, %squeeze3A_279 : i32
      %mul3A_281 = arith.constant 8 : i32
      %mul3A_282 = arith.muli %scan3A_138, %mul3A_281 : i32
      %add3A_283 = arith.constant 4 : i32
      %add3A_284 = arith.addi %mul3A_282, %add3A_283 : i32
      %mul3A_285 = arith.constant 16 : i32
      %mul3A_286 = arith.muli %add3A_284, %mul3A_285 : i32
      %get3A_287 = arith.index_cast %mul3A_286 : i32 to index
      %get3A_288 = tpu.vector_load %arg5[%get3A_287] {strides = array<i32>} : memref<16384xi32, #tpu.memory_space<vmem>>, vector<16xi32>,
      %sub3A_289 = vector.broadcast %mul3A_2 : i32 to vector<16xi32>
      %sub3A_290 = arith.subi %get3A_288, %sub3A_289 : vector<16xi32>
      %ge3A_291 = arith.constant 0 : i32
      %ge3A_292 = vector.broadcast %ge3A_291 : i32 to vector<16xi32>
      %ge3A_293 = arith.cmpi sge, %sub3A_290, %ge3A_292 : vector<16xi32>
      %lt3A_294 = arith.constant 31250 : i32
      %lt3A_295 = vector.broadcast %lt3A_294 : i32 to vector<16xi32>
      %lt3A_296 = arith.cmpi slt, %sub3A_290, %lt3A_295 : vector<16xi32>
      %and3A_297 = arith.andi %ge3A_293, %lt3A_296 : vector<16xi1>
      %jit3A_298 = arith.constant 0 : i32
      %jit3A_299 = arith.constant 31249 : i32
      %max3A_300 = vector.broadcast %jit3A_298 : i32 to vector<16xi32>
      %max3A_301 = arith.maxsi %max3A_300, %sub3A_290 : vector<16xi32>
      %min3A_302 = vector.broadcast %jit3A_299 : i32 to vector<16xi32>
      %min3A_303 = arith.minsi %min3A_302, %max3A_301 : vector<16xi32>
      %mul3A_304 = arith.constant 16384 : i32
      %mul3A_305 = vector.broadcast %mul3A_304 : i32 to vector<16xi32>
      %mul3A_306 = arith.muli %min3A_303, %mul3A_305 : vector<16xi32>
      %add3A_307 = arith.addi %mul3A_306, %iota3A : vector<16xi32>
      %mul3A_308 = arith.constant 16 : i32
      %mul3A_309 = arith.muli %add3A_284, %mul3A_308 : i32
      %add3A_310 = vector.broadcast %mul3A_309 : i32 to vector<16xi32>
      %add3A_311 = arith.addi %add3A_307, %add3A_310 : vector<16xi32>
      %swap3A_312 = arith.index_cast %add3A_280 : i32 to index
      %swap3A_313 = tpu.vector_load %arg7[%swap3A_312] masked %and3A_297 {strides = array<i32>} : memref<16384xi32, #tpu.memory_space<vmem>>, vector<16xi32>, vector<16xi1>
      tpu.vector_store %arg7[%swap3A_312], %add3A_311 masked %and3A_297 {strides = array<i32>} : memref<16384xi32, #tpu.memory_space<vmem>>, vector<16xi32>, vector<16xi1>
      %all_reduce_population_count3A_314 = tpu.all_reduce %and3A_297 {dim = 0 : i64, kind = #tpu.reduction_kind<sum>} : vector<16xi1> -> vector<16xi32>
      %slice3A_315 = vector.extract_strided_slice %all_reduce_population_count3A_314 {offsets = [0], sizes = [1], strides = [1]} : vector<16xi32> to vector<1xi32>
      %squeeze3A_316 = vector.extract %slice3A_315[0] : i32 from vector<1xi32>
      %add3A_317 = arith.addi %add3A_280, %squeeze3A_316 : i32
      %mul3A_318 = arith.constant 8 : i32
      %mul3A_319 = arith.muli %scan3A_138, %mul3A_318 : i32
      %add3A_320 = arith.constant 5 : i32
      %add3A_321 = arith.addi %mul3A_319, %add3A_320 : i32
      %mul3A_322 = arith.constant 16 : i32
      %mul3A_323 = arith.muli %add3A_321, %mul3A_322 : i32
      %get3A_324 = arith.index_cast %mul3A_323 : i32 to index
      %get3A_325 = tpu.vector_load %arg5[%get3A_324] {strides = array<i32>} : memref<16384xi32, #tpu.memory_space<vmem>>, vector<16xi32>,
      %sub3A_326 = vector.broadcast %mul3A_2 : i32 to vector<16xi32>
      %sub3A_327 = arith.subi %get3A_325, %sub3A_326 : vector<16xi32>
      %ge3A_328 = arith.constant 0 : i32
      %ge3A_329 = vector.broadcast %ge3A_328 : i32 to vector<16xi32>
      %ge3A_330 = arith.cmpi sge, %sub3A_327, %ge3A_329 : vector<16xi32>
      %lt3A_331 = arith.constant 31250 : i32
      %lt3A_332 = vector.broadcast %lt3A_331 : i32 to vector<16xi32>
      %lt3A_333 = arith.cmpi slt, %sub3A_327, %lt3A_332 : vector<16xi32>
      %and3A_334 = arith.andi %ge3A_330, %lt3A_333 : vector<16xi1>
      %jit3A_335 = arith.constant 0 : i32
      %jit3A_336 = arith.constant 31249 : i32
      %max3A_337 = vector.broadcast %jit3A_335 : i32 to vector<16xi32>
      %max3A_338 = arith.maxsi %max3A_337, %sub3A_327 : vector<16xi32>
      %min3A_339 = vector.broadcast %jit3A_336 : i32 to vector<16xi32>
      %min3A_340 = arith.minsi %min3A_339, %max3A_338 : vector<16xi32>
      %mul3A_341 = arith.constant 16384 : i32
      %mul3A_342 = vector.broadcast %mul3A_341 : i32 to vector<16xi32>
      %mul3A_343 = arith.muli %min3A_340, %mul3A_342 : vector<16xi32>
      %add3A_344 = arith.addi %mul3A_343, %iota3A : vector<16xi32>
      %mul3A_345 = arith.constant 16 : i32
      %mul3A_346 = arith.muli %add3A_321, %mul3A_345 : i32
      %add3A_347 = vector.broadcast %mul3A_346 : i32 to vector<16xi32>
      %add3A_348 = arith.addi %add3A_344, %add3A_347 : vector<16xi32>
      %swap3A_349 = arith.index_cast %add3A_317 : i32 to index
      %swap3A_350 = tpu.vector_load %arg7[%swap3A_349] masked %and3A_334 {strides = array<i32>} : memref<16384xi32, #tpu.memory_space<vmem>>, vector<16xi32>, vector<16xi1>
      tpu.vector_store %arg7[%swap3A_349], %add3A_348 masked %and3A_334 {strides = array<i32>} : memref<16384xi32, #tpu.memory_space<vmem>>, vector<16xi32>, vector<16xi1>
      %all_reduce_population_count3A_351 = tpu.all_reduce %and3A_334 {dim = 0 : i64, kind = #tpu.reduction_kind<sum>} : vector<16xi1> -> vector<16xi32>
      %slice3A_352 = vector.extract_strided_slice %all_reduce_population_count3A_351 {offsets = [0], sizes = [1], strides = [1]} : vector<16xi32> to vector<1xi32>
      %squeeze3A_353 = vector.extract %slice3A_352[0] : i32 from vector<1xi32>
      %add3A_354 = arith.addi %add3A_317, %squeeze3A_353 : i32
      %mul3A_355 = arith.constant 8 : i32
      %mul3A_356 = arith.muli %scan3A_138, %mul3A_355 : i32
      %add3A_357 = arith.constant 6 : i32
      %add3A_358 = arith.addi %mul3A_356, %add3A_357 : i32
      %mul3A_359 = arith.constant 16 : i32
      %mul3A_360 = arith.muli %add3A_358, %mul3A_359 : i32
      %get3A_361 = arith.index_cast %mul3A_360 : i32 to index
      %get3A_362 = tpu.vector_load %arg5[%get3A_361] {strides = array<i32>} : memref<16384xi32, #tpu.memory_space<vmem>>, vector<16xi32>,
      %sub3A_363 = vector.broadcast %mul3A_2 : i32 to vector<16xi32>
      %sub3A_364 = arith.subi %get3A_362, %sub3A_363 : vector<16xi32>
      %ge3A_365 = arith.constant 0 : i32
      %ge3A_366 = vector.broadcast %ge3A_365 : i32 to vector<16xi32>
      %ge3A_367 = arith.cmpi sge, %sub3A_364, %ge3A_366 : vector<16xi32>
      %lt3A_368 = arith.constant 31250 : i32
      %lt3A_369 = vector.broadcast %lt3A_368 : i32 to vector<16xi32>
      %lt3A_370 = arith.cmpi slt, %sub3A_364, %lt3A_369 : vector<16xi32>
      %and3A_371 = arith.andi %ge3A_367, %lt3A_370 : vector<16xi1>
      %jit3A_372 = arith.constant 0 : i32
      %jit3A_373 = arith.constant 31249 : i32
      %max3A_374 = vector.broadcast %jit3A_372 : i32 to vector<16xi32>
      %max3A_375 = arith.maxsi %max3A_374, %sub3A_364 : vector<16xi32>
      %min3A_376 = vector.broadcast %jit3A_373 : i32 to vector<16xi32>
      %min3A_377 = arith.minsi %min3A_376, %max3A_375 : vector<16xi32>
      %mul3A_378 = arith.constant 16384 : i32
      %mul3A_379 = vector.broadcast %mul3A_378 : i32 to vector<16xi32>
      %mul3A_380 = arith.muli %min3A_377, %mul3A_379 : vector<16xi32>
      %add3A_381 = arith.addi %mul3A_380, %iota3A : vector<16xi32>
      %mul3A_382 = arith.constant 16 : i32
      %mul3A_383 = arith.muli %add3A_358, %mul3A_382 : i32
      %add3A_384 = vector.broadcast %mul3A_383 : i32 to vector<16xi32>
      %add3A_385 = arith.addi %add3A_381, %add3A_384 : vector<16xi32>
      %swap3A_386 = arith.index_cast %add3A_354 : i32 to index
      %swap3A_387 = tpu.vector_load %arg7[%swap3A_386] masked %and3A_371 {strides = array<i32>} : memref<16384xi32, #tpu.memory_space<vmem>>, vector<16xi32>, vector<16xi1>
      tpu.vector_store %arg7[%swap3A_386], %add3A_385 masked %and3A_371 {strides = array<i32>} : memref<16384xi32, #tpu.memory_space<vmem>>, vector<16xi32>, vector<16xi1>
      %all_reduce_population_count3A_388 = tpu.all_reduce %and3A_371 {dim = 0 : i64, kind = #tpu.reduction_kind<sum>} : vector<16xi1> -> vector<16xi32>
      %slice3A_389 = vector.extract_strided_slice %all_reduce_population_count3A_388 {offsets = [0], sizes = [1], strides = [1]} : vector<16xi32> to vector<1xi32>
      %squeeze3A_390 = vector.extract %slice3A_389[0] : i32 from vector<1xi32>
      %add3A_391 = arith.addi %add3A_354, %squeeze3A_390 : i32
      %mul3A_392 = arith.constant 8 : i32
      %mul3A_393 = arith.muli %scan3A_138, %mul3A_392 : i32
      %add3A_394 = arith.constant 7 : i32
      %add3A_395 = arith.addi %mul3A_393, %add3A_394 : i32
      %mul3A_396 = arith.constant 16 : i32
      %mul3A_397 = arith.muli %add3A_395, %mul3A_396 : i32
      %get3A_398 = arith.index_cast %mul3A_397 : i32 to index
      %get3A_399 = tpu.vector_load %arg5[%get3A_398] {strides = array<i32>} : memref<16384xi32, #tpu.memory_space<vmem>>, vector<16xi32>,
      %sub3A_400 = vector.broadcast %mul3A_2 : i32 to vector<16xi32>
      %sub3A_401 = arith.subi %get3A_399, %sub3A_400 : vector<16xi32>
      %ge3A_402 = arith.constant 0 : i32
      %ge3A_403 = vector.broadcast %ge3A_402 : i32 to vector<16xi32>
      %ge3A_404 = arith.cmpi sge, %sub3A_401, %ge3A_403 : vector<16xi32>
      %lt3A_405 = arith.constant 31250 : i32
      %lt3A_406 = vector.broadcast %lt3A_405 : i32 to vector<16xi32>
      %lt3A_407 = arith.cmpi slt, %sub3A_401, %lt3A_406 : vector<16xi32>
      %and3A_408 = arith.andi %ge3A_404, %lt3A_407 : vector<16xi1>
      %jit3A_409 = arith.constant 0 : i32
      %jit3A_410 = arith.constant 31249 : i32
      %max3A_411 = vector.broadcast %jit3A_409 : i32 to vector<16xi32>
      %max3A_412 = arith.maxsi %max3A_411, %sub3A_401 : vector<16xi32>
      %min3A_413 = vector.broadcast %jit3A_410 : i32 to vector<16xi32>
      %min3A_414 = arith.minsi %min3A_413, %max3A_412 : vector<16xi32>
      %mul3A_415 = arith.constant 16384 : i32
      %mul3A_416 = vector.broadcast %mul3A_415 : i32 to vector<16xi32>
      %mul3A_417 = arith.muli %min3A_414, %mul3A_416 : vector<16xi32>
      %add3A_418 = arith.addi %mul3A_417, %iota3A : vector<16xi32>
      %mul3A_419 = arith.constant 16 : i32
      %mul3A_420 = arith.muli %add3A_395, %mul3A_419 : i32
      %add3A_421 = vector.broadcast %mul3A_420 : i32 to vector<16xi32>
      %add3A_422 = arith.addi %add3A_418, %add3A_421 : vector<16xi32>
      %swap3A_423 = arith.index_cast %add3A_391 : i32 to index
      %swap3A_424 = tpu.vector_load %arg7[%swap3A_423] masked %and3A_408 {strides = array<i32>} : memref<16384xi32, #tpu.memory_space<vmem>>, vector<16xi32>, vector<16xi1>
      tpu.vector_store %arg7[%swap3A_423], %add3A_422 masked %and3A_408 {strides = array<i32>} : memref<16384xi32, #tpu.memory_space<vmem>>, vector<16xi32>, vector<16xi1>
      %all_reduce_population_count3A_425 = tpu.all_reduce %and3A_408 {dim = 0 : i64, kind = #tpu.reduction_kind<sum>} : vector<16xi1> -> vector<16xi32>
      %slice3A_426 = vector.extract_strided_slice %all_reduce_population_count3A_425 {offsets = [0], sizes = [1], strides = [1]} : vector<16xi32> to vector<1xi32>
      %squeeze3A_427 = vector.extract %slice3A_426[0] : i32 from vector<1xi32>
      %add3A_428 = arith.addi %add3A_391, %squeeze3A_427 : i32
      scf.yield %add3A_428 : i32
    }
    %scan3A_8 = arith.constant 128 : i32
    %add3A_9 = arith.constant 128 : i32
    %add3A_10 = arith.addi %scan3A_7, %add3A_9 : i32
    %sub3A = arith.constant 1 : i32
    %sub3A_11 = arith.subi %add3A_10, %sub3A : i32
    %jit3A = arith.constant 128 : i32
    %div3A = arith.divsi %sub3A_11, %jit3A : i32
    %sign3A = arith.constant 0 : i32
    %sign3A_12 = arith.cmpi sgt, %sub3A_11, %sign3A : i32
    %sign3A_13 = arith.extui %sign3A_12 : i1 to i32
    %sign3A_14 = arith.constant 0 : i32
    %sign3A_15 = arith.cmpi slt, %sub3A_11, %sign3A_14 : i32
    %sign3A_16 = arith.extui %sign3A_15 : i1 to i32
    %sign3A_17 = arith.subi %sign3A_13, %sign3A_16 : i32
    %sign3A_18 = arith.constant 0 : i32
    %sign3A_19 = arith.cmpi sgt, %jit3A, %sign3A_18 : i32
    %sign3A_20 = arith.extui %sign3A_19 : i1 to i32
    %sign3A_21 = arith.constant 0 : i32
    %sign3A_22 = arith.cmpi slt, %jit3A, %sign3A_21 : i32
    %sign3A_23 = arith.extui %sign3A_22 : i1 to i32
    %sign3A_24 = arith.subi %sign3A_20, %sign3A_23 : i32
    %ne3A = arith.cmpi ne, %sign3A_17, %sign3A_24 : i32
    %rem3A = arith.remsi %sub3A_11, %jit3A : i32
    %ne3A_25 = arith.constant 0 : i32
    %ne3A_26 = arith.cmpi ne, %rem3A, %ne3A_25 : i32
    %and3A = arith.andi %ne3A, %ne3A_26 : i1
    %sub3A_27 = arith.constant 1 : i32
    %sub3A_28 = arith.subi %div3A, %sub3A_27 : i32
    %select_n3A = arith.select %and3A, %sub3A_28, %div3A : i32
    %get3A = arith.constant 0 : index
    %get3A_29 = tpu.vector_load %arg7[%get3A] {strides = array<i32>} : memref<16384xi32, #tpu.memory_space<vmem>>, vector<16xi32>,
    %eq3A = arith.constant 0 : i32
    %eq3A_30 = vector.broadcast %eq3A : i32 to vector<16xi32>
    %eq3A_31 = arith.cmpi eq, %iota3A, %eq3A_30 : vector<16xi32>
    %jit3A_32 = arith.constant -2147483648 : i32
    %broadcast_in_dim3A = vector.broadcast %jit3A_32 : i32 to vector<16xi32>
    %select_n3A_33 = arith.select %eq3A_31, %get3A_29, %broadcast_in_dim3A : vector<16xi1>, vector<16xi32>
    %reduce_max3A = arith.constant true
    %reduce_max3A_34 = vector.broadcast %reduce_max3A : i1 to vector<16xi1>
    %reduce_max3A_35 = arith.constant -2147483648 : i32
    %reduce_max3A_36 = vector.broadcast %reduce_max3A_35 : i32 to vector<16xi32>
    %reduce_max3A_37 = arith.xori %select_n3A_33, %reduce_max3A_36 : vector<16xi32>
    %reduce_max3A_38 = tpu.scan <max>, %reduce_max3A_37 masked %reduce_max3A_34 : vector<16xi32>, vector<16xi1> -> vector<16xi32>
    %reduce_max3A_39 = arith.xori %reduce_max3A_38, %reduce_max3A_36 : vector<16xi32>
    %reduce_max3A_40 = vector.extract %reduce_max3A_39[15] : i32 from vector<16xi32>
    %broadcast_in_dim3A_41 = vector.broadcast %reduce_max3A_40 : i32 to vector<16xi32>
    %mul3A_42 = arith.constant 8 : i32
    %mul3A_43 = arith.muli %select_n3A, %mul3A_42 : i32
    %jit3A_44 = arith.constant 16 : i32
    %div3A_45 = arith.divsi %scan3A_7, %jit3A_44 : i32
    %sign3A_46 = arith.constant 0 : i32
    %sign3A_47 = arith.cmpi sgt, %scan3A_7, %sign3A_46 : i32
    %sign3A_48 = arith.extui %sign3A_47 : i1 to i32
    %sign3A_49 = arith.constant 0 : i32
    %sign3A_50 = arith.cmpi slt, %scan3A_7, %sign3A_49 : i32
    %sign3A_51 = arith.extui %sign3A_50 : i1 to i32
    %sign3A_52 = arith.subi %sign3A_48, %sign3A_51 : i32
    %sign3A_53 = arith.constant 0 : i32
    %sign3A_54 = arith.cmpi sgt, %jit3A_44, %sign3A_53 : i32
    %sign3A_55 = arith.extui %sign3A_54 : i1 to i32
    %sign3A_56 = arith.constant 0 : i32
    %sign3A_57 = arith.cmpi slt, %jit3A_44, %sign3A_56 : i32
    %sign3A_58 = arith.extui %sign3A_57 : i1 to i32
    %sign3A_59 = arith.subi %sign3A_55, %sign3A_58 : i32
    %ne3A_60 = arith.cmpi ne, %sign3A_52, %sign3A_59 : i32
    %rem3A_61 = arith.remsi %scan3A_7, %jit3A_44 : i32
    %ne3A_62 = arith.constant 0 : i32
    %ne3A_63 = arith.cmpi ne, %rem3A_61, %ne3A_62 : i32
    %and3A_64 = arith.andi %ne3A_60, %ne3A_63 : i1
    %sub3A_65 = arith.constant 1 : i32
    %sub3A_66 = arith.subi %div3A_45, %sub3A_65 : i32
    %select_n3A_67 = arith.select %and3A_64, %sub3A_66, %div3A_45 : i32
    %while3A = arith.constant 0 : i32
    %while3A_68 = arith.subi %mul3A_43, %select_n3A_67 : i32
    %while3A_69 = arith.addi %select_n3A_67, %while3A_68 : i32
    %while3A_70 = arith.constant 1 : i32
    %while3A_71 = arith.divsi %while3A_68, %while3A_70 : i32
    %while3A_72 = arith.muli %while3A_71, %while3A_70 : i32
    %while3A_73 = arith.addi %select_n3A_67, %while3A_72 : i32
    %while3A_74 = arith.constant 1 : i32
    %while3A_75 = scf.for %while3A_138 = %select_n3A_67 to %while3A_73 step %while3A_74 iter_args(%while3A_139 = %while3A) -> (i32)  : i32 {
      %mul3A_140 = arith.constant 16 : i32
      %mul3A_141 = arith.muli %while3A_138, %mul3A_140 : i32
      %add3A_142 = vector.broadcast %mul3A_141 : i32 to vector<16xi32>
      %add3A_143 = arith.addi %add3A_142, %iota3A : vector<16xi32>
      %mul3A_144 = arith.constant 16 : i32
      %mul3A_145 = arith.muli %while3A_138, %mul3A_144 : i32
      %get3A_146 = arith.index_cast %mul3A_145 : i32 to index
      %get3A_147 = tpu.vector_load %arg7[%get3A_146] {strides = array<i32>} : memref<16384xi32, #tpu.memory_space<vmem>>, vector<16xi32>,
      %ge3A = vector.broadcast %scan3A_7 : i32 to vector<16xi32>
      %ge3A_148 = arith.cmpi sge, %add3A_143, %ge3A : vector<16xi32>
      %select_n3A_149 = arith.select %ge3A_148, %broadcast_in_dim3A_41, %get3A_147 : vector<16xi1>, vector<16xi32>
      %mul3A_150 = arith.constant 16 : i32
      %mul3A_151 = arith.muli %while3A_138, %mul3A_150 : i32
      %swap3A = arith.index_cast %mul3A_151 : i32 to index
      %swap3A_152 = tpu.vector_load %arg7[%swap3A] {strides = array<i32>} : memref<16384xi32, #tpu.memory_space<vmem>>, vector<16xi32>,
      tpu.vector_store %arg7[%swap3A], %select_n3A_149 {strides = array<i32>} : memref<16384xi32, #tpu.memory_space<vmem>>, vector<16xi32>,
      %while3A_153 = arith.constant 0 : i32
      scf.yield %while3A_153 : i32
    }
    %while3A_76 = arith.constant 1 : i32
    %while3A_77 = scf.for %while3A_138 = %while3A_73 to %while3A_69 step %while3A_76 iter_args(%while3A_139 = %while3A_75) -> (i32)  : i32 {
      %mul3A_140 = arith.constant 16 : i32
      %mul3A_141 = arith.muli %while3A_138, %mul3A_140 : i32
      %add3A_142 = vector.broadcast %mul3A_141 : i32 to vector<16xi32>
      %add3A_143 = arith.addi %add3A_142, %iota3A : vector<16xi32>
      %mul3A_144 = arith.constant 16 : i32
      %mul3A_145 = arith.muli %while3A_138, %mul3A_144 : i32
      %get3A_146 = arith.index_cast %mul3A_145 : i32 to index
      %get3A_147 = tpu.vector_load %arg7[%get3A_146] {strides = array<i32>} : memref<16384xi32, #tpu.memory_space<vmem>>, vector<16xi32>,
      %ge3A = vector.broadcast %scan3A_7 : i32 to vector<16xi32>
      %ge3A_148 = arith.cmpi sge, %add3A_143, %ge3A : vector<16xi32>
      %select_n3A_149 = arith.select %ge3A_148, %broadcast_in_dim3A_41, %get3A_147 : vector<16xi1>, vector<16xi32>
      %mul3A_150 = arith.constant 16 : i32
      %mul3A_151 = arith.muli %while3A_138, %mul3A_150 : i32
      %swap3A = arith.index_cast %mul3A_151 : i32 to index
      %swap3A_152 = tpu.vector_load %arg7[%swap3A] {strides = array<i32>} : memref<16384xi32, #tpu.memory_space<vmem>>, vector<16xi32>,
      tpu.vector_store %arg7[%swap3A], %select_n3A_149 {strides = array<i32>} : memref<16384xi32, #tpu.memory_space<vmem>>, vector<16xi32>,
      %while3A_153 = arith.constant 0 : i32
      scf.yield %while3A_153 : i32
    }
    %add3A_78 = arith.constant 1 : i32
    %add3A_79 = vector.broadcast %add3A_78 : i32 to vector<16xi32>
    %add3A_80 = arith.addi %iota3A, %add3A_79 : vector<16xi32>
    %min3A = arith.constant 15 : i32
    %min3A_81 = vector.broadcast %min3A : i32 to vector<16xi32>
    %min3A_82 = arith.minsi %add3A_80, %min3A_81 : vector<16xi32>
    %add3A_83 = arith.constant 16 : i32
    %add3A_84 = arith.addi %scan3A_7, %add3A_83 : i32
    %sub3A_85 = arith.constant 1 : i32
    %sub3A_86 = arith.subi %add3A_84, %sub3A_85 : i32
    %jit3A_87 = arith.constant 16 : i32
    %div3A_88 = arith.divsi %sub3A_86, %jit3A_87 : i32
    %sign3A_89 = arith.constant 0 : i32
    %sign3A_90 = arith.cmpi sgt, %sub3A_86, %sign3A_89 : i32
    %sign3A_91 = arith.extui %sign3A_90 : i1 to i32
    %sign3A_92 = arith.constant 0 : i32
    %sign3A_93 = arith.cmpi slt, %sub3A_86, %sign3A_92 : i32
    %sign3A_94 = arith.extui %sign3A_93 : i1 to i32
    %sign3A_95 = arith.subi %sign3A_91, %sign3A_94 : i32
    %sign3A_96 = arith.constant 0 : i32
    %sign3A_97 = arith.cmpi sgt, %jit3A_87, %sign3A_96 : i32
    %sign3A_98 = arith.extui %sign3A_97 : i1 to i32
    %sign3A_99 = arith.constant 0 : i32
    %sign3A_100 = arith.cmpi slt, %jit3A_87, %sign3A_99 : i32
    %sign3A_101 = arith.extui %sign3A_100 : i1 to i32
    %sign3A_102 = arith.subi %sign3A_98, %sign3A_101 : i32
    %ne3A_103 = arith.cmpi ne, %sign3A_95, %sign3A_102 : i32
    %rem3A_104 = arith.remsi %sub3A_86, %jit3A_87 : i32
    %ne3A_105 = arith.constant 0 : i32
    %ne3A_106 = arith.cmpi ne, %rem3A_104, %ne3A_105 : i32
    %and3A_107 = arith.andi %ne3A_103, %ne3A_106 : i1
    %sub3A_108 = arith.constant 1 : i32
    %sub3A_109 = arith.subi %div3A_88, %sub3A_108 : i32
    %select_n3A_110 = arith.select %and3A_107, %sub3A_109, %div3A_88 : i32
    %while3A_111 = arith.constant 512000000 : i32
    %while3A_112 = arith.constant 0 : i32
    %while3A_113 = arith.constant 0 : i32
    %while3A_114 = arith.subi %select_n3A_110, %while3A_112 : i32
    %while3A_115 = arith.addi %while3A_112, %while3A_114 : i32
    %while3A_116 = arith.constant 1 : i32
    %while3A_117 = arith.divsi %while3A_114, %while3A_116 : i32
    %while3A_118 = arith.muli %while3A_117, %while3A_116 : i32
    %while3A_119 = arith.addi %while3A_112, %while3A_118 : i32
    %while3A_120 = arith.constant 1 : i32
    %while3A_121 = scf.for %while3A_138 = %while3A_112 to %while3A_119 step %while3A_120 iter_args(%while3A_139 = %while3A_113) -> (i32)  : i32 {
      %mul3A_140 = arith.constant 16 : i32
      %mul3A_141 = arith.muli %while3A_138, %mul3A_140 : i32
      %get3A_142 = arith.index_cast %mul3A_141 : i32 to index
      %get3A_143 = tpu.vector_load %arg7[%get3A_142] {strides = array<i32>} : memref<16384xi32, #tpu.memory_space<vmem>>, vector<16xi32>,
      %mul3A_144 = arith.constant 16 : i32
      %mul3A_145 = arith.muli %while3A_138, %mul3A_144 : i32
      %add3A_146 = vector.broadcast %mul3A_145 : i32 to vector<16xi32>
      %add3A_147 = arith.addi %add3A_146, %iota3A : vector<16xi32>
      %lt3A = vector.broadcast %scan3A_7 : i32 to vector<16xi32>
      %lt3A_148 = arith.cmpi slt, %add3A_147, %lt3A : vector<16xi32>
      %broadcast_in_dim3A_149 = vector.broadcast %while3A_111 : i32 to vector<16xi32>
      %select_n3A_150 = arith.select %lt3A_148, %get3A_143, %broadcast_in_dim3A_149 : vector<16xi1>, vector<16xi32>
      %masked_sort3A = arith.constant dense<true> : vector<16xi1>
      %masked_sort3A_151 = arith.constant -2147483648 : i32
      %masked_sort3A_152 = vector.broadcast %masked_sort3A_151 : i32 to vector<16xi32>
      %masked_sort3A_153 = arith.xori %select_n3A_150, %masked_sort3A_152 : vector<16xi32>
      %masked_sort3A_154, %masked_sort3A_155, %masked_sort3A_156 = tpu.sort %masked_sort3A_153, %select_n3A_150 masked %masked_sort3A : (vector<16xi32>, vector<16xi32>, vector<16xi1>) -> (vector<16xi1>, vector<16xi32>, vector<16xi32>)
      %masked_sort3A_157 = arith.xori %masked_sort3A_155, %masked_sort3A_152 : vector<16xi32>
      %jit3A_158 = arith.constant 16384 : i32
      %div3A_159 = vector.broadcast %jit3A_158 : i32 to vector<16xi32>
      %div3A_160 = arith.divsi %masked_sort3A_157, %div3A_159 : vector<16xi32>
      %sign3A_161 = arith.constant 0 : i32
      %sign3A_162 = vector.broadcast %sign3A_161 : i32 to vector<16xi32>
      %sign3A_163 = arith.cmpi sgt, %masked_sort3A_157, %sign3A_162 : vector<16xi32>
      %sign3A_164 = arith.extui %sign3A_163 : vector<16xi1> to vector<16xi32>
      %sign3A_165 = arith.constant 0 : i32
      %sign3A_166 = vector.broadcast %sign3A_165 : i32 to vector<16xi32>
      %sign3A_167 = arith.cmpi slt, %masked_sort3A_157, %sign3A_166 : vector<16xi32>
      %sign3A_168 = arith.extui %sign3A_167 : vector<16xi1> to vector<16xi32>
      %sign3A_169 = arith.subi %sign3A_164, %sign3A_168 : vector<16xi32>
      %sign3A_170 = arith.constant 0 : i32
      %sign3A_171 = arith.cmpi sgt, %jit3A_158, %sign3A_170 : i32
      %sign3A_172 = arith.extui %sign3A_171 : i1 to i32
      %sign3A_173 = arith.constant 0 : i32
      %sign3A_174 = arith.cmpi slt, %jit3A_158, %sign3A_173 : i32
      %sign3A_175 = arith.extui %sign3A_174 : i1 to i32
      %sign3A_176 = arith.subi %sign3A_172, %sign3A_175 : i32
      %ne3A_177 = vector.broadcast %sign3A_176 : i32 to vector<16xi32>
      %ne3A_178 = arith.cmpi ne, %sign3A_169, %ne3A_177 : vector<16xi32>
      %rem3A_179 = vector.broadcast %jit3A_158 : i32 to vector<16xi32>
      %rem3A_180 = arith.remsi %masked_sort3A_157, %rem3A_179 : vector<16xi32>
      %ne3A_181 = arith.constant 0 : i32
      %ne3A_182 = vector.broadcast %ne3A_181 : i32 to vector<16xi32>
      %ne3A_183 = arith.cmpi ne, %rem3A_180, %ne3A_182 : vector<16xi32>
      %and3A_184 = arith.andi %ne3A_178, %ne3A_183 : vector<16xi1>
      %sub3A_185 = arith.constant 1 : i32
      %sub3A_186 = vector.broadcast %sub3A_185 : i32 to vector<16xi32>
      %sub3A_187 = arith.subi %div3A_160, %sub3A_186 : vector<16xi32>
      %select_n3A_188 = arith.select %and3A_184, %sub3A_187, %div3A_160 : vector<16xi1>, vector<16xi32>
      %lt3A_189 = arith.constant 0 : i32
      %lt3A_190 = vector.broadcast %lt3A_189 : i32 to vector<16xi32>
      %lt3A_191 = arith.cmpi slt, %min3A_82, %lt3A_190 : vector<16xi32>
      %add3A_192 = arith.constant 16 : i32
      %add3A_193 = vector.broadcast %add3A_192 : i32 to vector<16xi32>
      %add3A_194 = arith.addi %min3A_82, %add3A_193 : vector<16xi32>
      %select_n3A_195 = arith.select %lt3A_191, %add3A_194, %min3A_82 : vector<16xi1>, vector<16xi32>
      %broadcast_in_dim3A_196 = vector.shape_cast %select_n3A_195 : vector<16xi32> to vector<16x1xi32>
      %gather3A = vector.shape_cast %broadcast_in_dim3A_196 : vector<16x1xi32> to vector<16xi32>
      %gather3A_197 = tpu.dynamic_gather %select_n3A_188[%gather3A] in [0] : vector<16xi32>, vector<16xi32> -> vector<16xi32>
      %eq3A_198 = arith.constant 15 : i32
      %eq3A_199 = vector.broadcast %eq3A_198 : i32 to vector<16xi32>
      %eq3A_200 = arith.cmpi eq, %iota3A, %eq3A_199 : vector<16xi32>
      %ne3A_201 = arith.cmpi ne, %select_n3A_188, %gather3A_197 : vector<16xi32>
      %or3A = arith.ori %eq3A_200, %ne3A_201 : vector<16xi1>
      %and3A_202 = arith.constant 16383 : i32
      %and3A_203 = vector.broadcast %and3A_202 : i32 to vector<16xi32>
      %and3A_204 = arith.andi %masked_sort3A_157, %and3A_203 : vector<16xi32>
      tpu.vector_store_idx %arg6[%select_n3A_188], %and3A_204 masked %or3A : memref<31266xi32, #tpu.memory_space<vmem>>[vector<16xi32>], vector<16xi32>, vector<16xi1>
      %while3A_205 = arith.constant 0 : i32
      scf.yield %while3A_205 : i32
    }
    %while3A_122 = arith.constant 1 : i32
    %while3A_123 = scf.for %while3A_138 = %while3A_119 to %while3A_115 step %while3A_122 iter_args(%while3A_139 = %while3A_121) -> (i32)  : i32 {
      %mul3A_140 = arith.constant 16 : i32
      %mul3A_141 = arith.muli %while3A_138, %mul3A_140 : i32
      %get3A_142 = arith.index_cast %mul3A_141 : i32 to index
      %get3A_143 = tpu.vector_load %arg7[%get3A_142] {strides = array<i32>} : memref<16384xi32, #tpu.memory_space<vmem>>, vector<16xi32>,
      %mul3A_144 = arith.constant 16 : i32
      %mul3A_145 = arith.muli %while3A_138, %mul3A_144 : i32
      %add3A_146 = vector.broadcast %mul3A_145 : i32 to vector<16xi32>
      %add3A_147 = arith.addi %add3A_146, %iota3A : vector<16xi32>
      %lt3A = vector.broadcast %scan3A_7 : i32 to vector<16xi32>
      %lt3A_148 = arith.cmpi slt, %add3A_147, %lt3A : vector<16xi32>
      %broadcast_in_dim3A_149 = vector.broadcast %while3A_111 : i32 to vector<16xi32>
      %select_n3A_150 = arith.select %lt3A_148, %get3A_143, %broadcast_in_dim3A_149 : vector<16xi1>, vector<16xi32>
      %masked_sort3A = arith.constant dense<true> : vector<16xi1>
      %masked_sort3A_151 = arith.constant -2147483648 : i32
      %masked_sort3A_152 = vector.broadcast %masked_sort3A_151 : i32 to vector<16xi32>
      %masked_sort3A_153 = arith.xori %select_n3A_150, %masked_sort3A_152 : vector<16xi32>
      %masked_sort3A_154, %masked_sort3A_155, %masked_sort3A_156 = tpu.sort %masked_sort3A_153, %select_n3A_150 masked %masked_sort3A : (vector<16xi32>, vector<16xi32>, vector<16xi1>) -> (vector<16xi1>, vector<16xi32>, vector<16xi32>)
      %masked_sort3A_157 = arith.xori %masked_sort3A_155, %masked_sort3A_152 : vector<16xi32>
      %jit3A_158 = arith.constant 16384 : i32
      %div3A_159 = vector.broadcast %jit3A_158 : i32 to vector<16xi32>
      %div3A_160 = arith.divsi %masked_sort3A_157, %div3A_159 : vector<16xi32>
      %sign3A_161 = arith.constant 0 : i32
      %sign3A_162 = vector.broadcast %sign3A_161 : i32 to vector<16xi32>
      %sign3A_163 = arith.cmpi sgt, %masked_sort3A_157, %sign3A_162 : vector<16xi32>
      %sign3A_164 = arith.extui %sign3A_163 : vector<16xi1> to vector<16xi32>
      %sign3A_165 = arith.constant 0 : i32
      %sign3A_166 = vector.broadcast %sign3A_165 : i32 to vector<16xi32>
      %sign3A_167 = arith.cmpi slt, %masked_sort3A_157, %sign3A_166 : vector<16xi32>
      %sign3A_168 = arith.extui %sign3A_167 : vector<16xi1> to vector<16xi32>
      %sign3A_169 = arith.subi %sign3A_164, %sign3A_168 : vector<16xi32>
      %sign3A_170 = arith.constant 0 : i32
      %sign3A_171 = arith.cmpi sgt, %jit3A_158, %sign3A_170 : i32
      %sign3A_172 = arith.extui %sign3A_171 : i1 to i32
      %sign3A_173 = arith.constant 0 : i32
      %sign3A_174 = arith.cmpi slt, %jit3A_158, %sign3A_173 : i32
      %sign3A_175 = arith.extui %sign3A_174 : i1 to i32
      %sign3A_176 = arith.subi %sign3A_172, %sign3A_175 : i32
      %ne3A_177 = vector.broadcast %sign3A_176 : i32 to vector<16xi32>
      %ne3A_178 = arith.cmpi ne, %sign3A_169, %ne3A_177 : vector<16xi32>
      %rem3A_179 = vector.broadcast %jit3A_158 : i32 to vector<16xi32>
      %rem3A_180 = arith.remsi %masked_sort3A_157, %rem3A_179 : vector<16xi32>
      %ne3A_181 = arith.constant 0 : i32
      %ne3A_182 = vector.broadcast %ne3A_181 : i32 to vector<16xi32>
      %ne3A_183 = arith.cmpi ne, %rem3A_180, %ne3A_182 : vector<16xi32>
      %and3A_184 = arith.andi %ne3A_178, %ne3A_183 : vector<16xi1>
      %sub3A_185 = arith.constant 1 : i32
      %sub3A_186 = vector.broadcast %sub3A_185 : i32 to vector<16xi32>
      %sub3A_187 = arith.subi %div3A_160, %sub3A_186 : vector<16xi32>
      %select_n3A_188 = arith.select %and3A_184, %sub3A_187, %div3A_160 : vector<16xi1>, vector<16xi32>
      %lt3A_189 = arith.constant 0 : i32
      %lt3A_190 = vector.broadcast %lt3A_189 : i32 to vector<16xi32>
      %lt3A_191 = arith.cmpi slt, %min3A_82, %lt3A_190 : vector<16xi32>
      %add3A_192 = arith.constant 16 : i32
      %add3A_193 = vector.broadcast %add3A_192 : i32 to vector<16xi32>
      %add3A_194 = arith.addi %min3A_82, %add3A_193 : vector<16xi32>
      %select_n3A_195 = arith.select %lt3A_191, %add3A_194, %min3A_82 : vector<16xi1>, vector<16xi32>
      %broadcast_in_dim3A_196 = vector.shape_cast %select_n3A_195 : vector<16xi32> to vector<16x1xi32>
      %gather3A = vector.shape_cast %broadcast_in_dim3A_196 : vector<16x1xi32> to vector<16xi32>
      %gather3A_197 = tpu.dynamic_gather %select_n3A_188[%gather3A] in [0] : vector<16xi32>, vector<16xi32> -> vector<16xi32>
      %eq3A_198 = arith.constant 15 : i32
      %eq3A_199 = vector.broadcast %eq3A_198 : i32 to vector<16xi32>
      %eq3A_200 = arith.cmpi eq, %iota3A, %eq3A_199 : vector<16xi32>
      %ne3A_201 = arith.cmpi ne, %select_n3A_188, %gather3A_197 : vector<16xi32>
      %or3A = arith.ori %eq3A_200, %ne3A_201 : vector<16xi1>
      %and3A_202 = arith.constant 16383 : i32
      %and3A_203 = vector.broadcast %and3A_202 : i32 to vector<16xi32>
      %and3A_204 = arith.andi %masked_sort3A_157, %and3A_203 : vector<16xi32>
      tpu.vector_store_idx %arg6[%select_n3A_188], %and3A_204 masked %or3A : memref<31266xi32, #tpu.memory_space<vmem>>[vector<16xi32>], vector<16xi32>, vector<16xi1>
      %while3A_205 = arith.constant 0 : i32
      scf.yield %while3A_205 : i32
    }
    %while3A_124 = arith.constant 0 : i32
    %while3A_125 = arith.constant 0 : i32
    %while3A_126 = arith.subi %mul3A_43, %while3A_124 : i32
    %while3A_127 = arith.addi %while3A_124, %while3A_126 : i32
    %while3A_128 = arith.constant 1 : i32
    %while3A_129 = arith.divsi %while3A_126, %while3A_128 : i32
    %while3A_130 = arith.muli %while3A_129, %while3A_128 : i32
    %while3A_131 = arith.addi %while3A_124, %while3A_130 : i32
    %while3A_132 = arith.constant 1 : i32
    %while3A_133 = scf.for %while3A_138 = %while3A_124 to %while3A_131 step %while3A_132 iter_args(%while3A_139 = %while3A_125) -> (i32)  : i32 {
      %mul3A_140 = arith.constant 16 : i32
      %mul3A_141 = arith.muli %while3A_138, %mul3A_140 : i32
      %get3A_142 = arith.index_cast %mul3A_141 : i32 to index
      %get3A_143 = tpu.vector_load %arg7[%get3A_142] {strides = array<i32>} : memref<16384xi32, #tpu.memory_space<vmem>>, vector<16xi32>,
      %jit3A_144 = arith.constant 16384 : i32
      %div3A_145 = vector.broadcast %jit3A_144 : i32 to vector<16xi32>
      %div3A_146 = arith.divsi %get3A_143, %div3A_145 : vector<16xi32>
      %sign3A_147 = arith.constant 0 : i32
      %sign3A_148 = vector.broadcast %sign3A_147 : i32 to vector<16xi32>
      %sign3A_149 = arith.cmpi sgt, %get3A_143, %sign3A_148 : vector<16xi32>
      %sign3A_150 = arith.extui %sign3A_149 : vector<16xi1> to vector<16xi32>
      %sign3A_151 = arith.constant 0 : i32
      %sign3A_152 = vector.broadcast %sign3A_151 : i32 to vector<16xi32>
      %sign3A_153 = arith.cmpi slt, %get3A_143, %sign3A_152 : vector<16xi32>
      %sign3A_154 = arith.extui %sign3A_153 : vector<16xi1> to vector<16xi32>
      %sign3A_155 = arith.subi %sign3A_150, %sign3A_154 : vector<16xi32>
      %sign3A_156 = arith.constant 0 : i32
      %sign3A_157 = arith.cmpi sgt, %jit3A_144, %sign3A_156 : i32
      %sign3A_158 = arith.extui %sign3A_157 : i1 to i32
      %sign3A_159 = arith.constant 0 : i32
      %sign3A_160 = arith.cmpi slt, %jit3A_144, %sign3A_159 : i32
      %sign3A_161 = arith.extui %sign3A_160 : i1 to i32
      %sign3A_162 = arith.subi %sign3A_158, %sign3A_161 : i32
      %ne3A_163 = vector.broadcast %sign3A_162 : i32 to vector<16xi32>
      %ne3A_164 = arith.cmpi ne, %sign3A_155, %ne3A_163 : vector<16xi32>
      %rem3A_165 = vector.broadcast %jit3A_144 : i32 to vector<16xi32>
      %rem3A_166 = arith.remsi %get3A_143, %rem3A_165 : vector<16xi32>
      %ne3A_167 = arith.constant 0 : i32
      %ne3A_168 = vector.broadcast %ne3A_167 : i32 to vector<16xi32>
      %ne3A_169 = arith.cmpi ne, %rem3A_166, %ne3A_168 : vector<16xi32>
      %and3A_170 = arith.andi %ne3A_164, %ne3A_169 : vector<16xi1>
      %sub3A_171 = arith.constant 1 : i32
      %sub3A_172 = vector.broadcast %sub3A_171 : i32 to vector<16xi32>
      %sub3A_173 = arith.subi %div3A_146, %sub3A_172 : vector<16xi32>
      %select_n3A_174 = arith.select %and3A_170, %sub3A_173, %div3A_146 : vector<16xi1>, vector<16xi32>
      %gather3A = tpu.vector_load_idx %arg6[%select_n3A_174] : memref<31266xi32, #tpu.memory_space<vmem>>[vector<16xi32>], vector<16xi32>,
      %mul3A_175 = arith.constant 16 : i32
      %mul3A_176 = arith.muli %while3A_138, %mul3A_175 : i32
      %swap3A = arith.index_cast %mul3A_176 : i32 to index
      %swap3A_177 = tpu.vector_load %arg8[%swap3A] {strides = array<i32>} : memref<16384xi32, #tpu.memory_space<vmem>>, vector<16xi32>,
      tpu.vector_store %arg8[%swap3A], %gather3A {strides = array<i32>} : memref<16384xi32, #tpu.memory_space<vmem>>, vector<16xi32>,
      %while3A_178 = arith.constant 0 : i32
      scf.yield %while3A_178 : i32
    }
    %while3A_134 = arith.constant 1 : i32
    %while3A_135 = scf.for %while3A_138 = %while3A_131 to %while3A_127 step %while3A_134 iter_args(%while3A_139 = %while3A_133) -> (i32)  : i32 {
      %mul3A_140 = arith.constant 16 : i32
      %mul3A_141 = arith.muli %while3A_138, %mul3A_140 : i32
      %get3A_142 = arith.index_cast %mul3A_141 : i32 to index
      %get3A_143 = tpu.vector_load %arg7[%get3A_142] {strides = array<i32>} : memref<16384xi32, #tpu.memory_space<vmem>>, vector<16xi32>,
      %jit3A_144 = arith.constant 16384 : i32
      %div3A_145 = vector.broadcast %jit3A_144 : i32 to vector<16xi32>
      %div3A_146 = arith.divsi %get3A_143, %div3A_145 : vector<16xi32>
      %sign3A_147 = arith.constant 0 : i32
      %sign3A_148 = vector.broadcast %sign3A_147 : i32 to vector<16xi32>
      %sign3A_149 = arith.cmpi sgt, %get3A_143, %sign3A_148 : vector<16xi32>
      %sign3A_150 = arith.extui %sign3A_149 : vector<16xi1> to vector<16xi32>
      %sign3A_151 = arith.constant 0 : i32
      %sign3A_152 = vector.broadcast %sign3A_151 : i32 to vector<16xi32>
      %sign3A_153 = arith.cmpi slt, %get3A_143, %sign3A_152 : vector<16xi32>
      %sign3A_154 = arith.extui %sign3A_153 : vector<16xi1> to vector<16xi32>
      %sign3A_155 = arith.subi %sign3A_150, %sign3A_154 : vector<16xi32>
      %sign3A_156 = arith.constant 0 : i32
      %sign3A_157 = arith.cmpi sgt, %jit3A_144, %sign3A_156 : i32
      %sign3A_158 = arith.extui %sign3A_157 : i1 to i32
      %sign3A_159 = arith.constant 0 : i32
      %sign3A_160 = arith.cmpi slt, %jit3A_144, %sign3A_159 : i32
      %sign3A_161 = arith.extui %sign3A_160 : i1 to i32
      %sign3A_162 = arith.subi %sign3A_158, %sign3A_161 : i32
      %ne3A_163 = vector.broadcast %sign3A_162 : i32 to vector<16xi32>
      %ne3A_164 = arith.cmpi ne, %sign3A_155, %ne3A_163 : vector<16xi32>
      %rem3A_165 = vector.broadcast %jit3A_144 : i32 to vector<16xi32>
      %rem3A_166 = arith.remsi %get3A_143, %rem3A_165 : vector<16xi32>
      %ne3A_167 = arith.constant 0 : i32
      %ne3A_168 = vector.broadcast %ne3A_167 : i32 to vector<16xi32>
      %ne3A_169 = arith.cmpi ne, %rem3A_166, %ne3A_168 : vector<16xi32>
      %and3A_170 = arith.andi %ne3A_164, %ne3A_169 : vector<16xi1>
      %sub3A_171 = arith.constant 1 : i32
      %sub3A_172 = vector.broadcast %sub3A_171 : i32 to vector<16xi32>
      %sub3A_173 = arith.subi %div3A_146, %sub3A_172 : vector<16xi32>
      %select_n3A_174 = arith.select %and3A_170, %sub3A_173, %div3A_146 : vector<16xi1>, vector<16xi32>
      %gather3A = tpu.vector_load_idx %arg6[%select_n3A_174] : memref<31266xi32, #tpu.memory_space<vmem>>[vector<16xi32>], vector<16xi32>,
      %mul3A_175 = arith.constant 16 : i32
      %mul3A_176 = arith.muli %while3A_138, %mul3A_175 : i32
      %swap3A = arith.index_cast %mul3A_176 : i32 to index
      %swap3A_177 = tpu.vector_load %arg8[%swap3A] {strides = array<i32>} : memref<16384xi32, #tpu.memory_space<vmem>>, vector<16xi32>,
      tpu.vector_store %arg8[%swap3A], %gather3A {strides = array<i32>} : memref<16384xi32, #tpu.memory_space<vmem>>, vector<16xi32>,
      %while3A_178 = arith.constant 0 : i32
      scf.yield %while3A_178 : i32
    }
    %gt3A = arith.constant 0 : i32
    %gt3A_136 = arith.cmpi sgt, %select_n3A, %gt3A : i32
    %convert_element_type3A = arith.extui %gt3A_136 : i1 to i32
    %cond3A = arith.constant 0 : i32
    %cond3A_137 = arith.cmpi ne, %convert_element_type3A, %cond3A : i32
    scf.if %cond3A_137 {
      %dma_start3A = arith.constant 0 : i32
      %dma_start3A_138 = arith.constant 0 : i32
      %dma_start3A_139 = arith.constant 0 : i32
      %dma_start3A_140 = tpu.memref_slice %arg9[%dma_start3A, %dma_start3A_138, %dma_start3A_139] : memref<2x128x128xf32, #tpu.memory_space<vmem>> -> memref<1x128x128xf32, #tpu.memory_space<vmem>>
      %dma_start3A_141 = tpu.memref_squeeze %dma_start3A_140 : memref<1x128x128xf32, #tpu.memory_space<vmem>> -> memref<128x128xf32, #tpu.memory_space<vmem>>
      %dma_start3A_142 = arith.constant 0 : i32
      %dma_start3A_143 = tpu.memref_slice %arg8[%dma_start3A_142] : memref<16384xi32, #tpu.memory_space<vmem>> -> memref<128xi32, #tpu.memory_space<vmem>>
      %dma_start3A_144 = arith.constant 0 : i32
      %dma_start3A_145 = arith.constant 0 : i32
      %dma_start3A_146 = tpu.memref_slice %arg3[%dma_start3A_144, %dma_start3A_145] : memref<16384x128xf32, #tpu.memory_space<hbm>> -> memref<16384x128xf32, #tpu.memory_space<hbm>>
      tpu.enqueue_indirect_dma source(%dma_start3A_146 : memref<16384x128xf32, #tpu.memory_space<hbm>>) target(%dma_start3A_141 : memref<128x128xf32, #tpu.memory_space<vmem>>) offsets(%dma_start3A_143 : memref<128xi32, #tpu.memory_space<vmem>>) semaphore(%arg11 : memref<!tpu.dma_semaphore, #tpu.memory_space<semaphore_mem>>)
      %dma_wait3A = arith.constant 0 : i32
      %dma_wait3A_147 = arith.constant 0 : i32
      %dma_wait3A_148 = arith.constant 0 : i32
      %dma_wait3A_149 = tpu.memref_slice %arg9[%dma_wait3A, %dma_wait3A_147, %dma_wait3A_148] : memref<2x128x128xf32, #tpu.memory_space<vmem>> -> memref<1x128x128xf32, #tpu.memory_space<vmem>>
      %dma_wait3A_150 = tpu.memref_squeeze %dma_wait3A_149 : memref<1x128x128xf32, #tpu.memory_space<vmem>> -> memref<128x128xf32, #tpu.memory_space<vmem>>
      %dma_wait3A_151 = arith.constant 0 : i32
      %dma_wait3A_152 = tpu.memref_slice %arg8[%dma_wait3A_151] : memref<16384xi32, #tpu.memory_space<vmem>> -> memref<128xi32, #tpu.memory_space<vmem>>
      %dma_wait3A_153 = arith.constant 0 : i32
      %dma_wait3A_154 = arith.constant 0 : i32
      %dma_wait3A_155 = tpu.memref_slice %arg3[%dma_wait3A_153, %dma_wait3A_154] : memref<16384x128xf32, #tpu.memory_space<hbm>> -> memref<16384x128xf32, #tpu.memory_space<hbm>>
      tpu.wait_indirect_dma semaphore(%arg11 : memref<!tpu.dma_semaphore, #tpu.memory_space<semaphore_mem>>) src(%dma_wait3A_155 : memref<16384x128xf32, #tpu.memory_space<hbm>>) dst(%dma_wait3A_150 : memref<128x128xf32, #tpu.memory_space<vmem>>)
      %scan3A_156 = arith.constant 0 : i32
      %scan3A_157 = arith.constant 0 : i32
      %scan3A_158 = arith.constant 8 : i32
      %scan3A_159 = arith.addi %scan3A_157, %scan3A_158 : i32
      %scan3A_160 = arith.constant 1 : i32
      %scan3A_161 = scf.for %scan3A_214 = %scan3A_157 to %scan3A_159 step %scan3A_160 iter_args(%scan3A_215 = %scan3A_156) -> (i32)  : i32 {
        %mul3A_216 = arith.constant 16 : i32
        %mul3A_217 = arith.muli %scan3A_214, %mul3A_216 : i32
        %add3A_218 = arith.constant 0 : i32
        %add3A_219 = arith.addi %add3A_218, %mul3A_217 : i32
        %get3A_220 = arith.index_cast %add3A_219 : i32 to index
        %get3A_221 = tpu.vector_load %arg7[%get3A_220] {strides = array<i32>} : memref<16384xi32, #tpu.memory_space<vmem>>, vector<16xi32>,
        %and3A_222 = arith.constant 16383 : i32
        %and3A_223 = vector.broadcast %and3A_222 : i32 to vector<16xi32>
        %and3A_224 = arith.andi %get3A_221, %and3A_223 : vector<16xi32>
        %mul3A_225 = arith.constant 16 : i32
        %mul3A_226 = arith.muli %scan3A_214, %mul3A_225 : i32
        %swap3A = arith.constant 0 : i32
        %swap3A_227 = arith.constant 0 : i32
        %swap3A_228 = tpu.memref_slice %arg10[%swap3A, %swap3A_227] : memref<2x128xi32, #tpu.memory_space<vmem>> -> memref<1x128xi32, #tpu.memory_space<vmem>>
        %swap3A_229 = tpu.memref_squeeze %swap3A_228 : memref<1x128xi32, #tpu.memory_space<vmem>> -> memref<128xi32, #tpu.memory_space<vmem>>
        %swap3A_230 = arith.index_cast %mul3A_226 : i32 to index
        %swap3A_231 = tpu.vector_load %swap3A_229[%swap3A_230] {strides = array<i32>} : memref<128xi32, #tpu.memory_space<vmem>>, vector<16xi32>,
        tpu.vector_store %swap3A_229[%swap3A_230], %and3A_224 {strides = array<i32>} : memref<128xi32, #tpu.memory_space<vmem>>, vector<16xi32>,
        %scan3A_232 = arith.constant 0 : i32
        scf.yield %scan3A_232 : i32
      }
      %scan3A_162 = arith.constant 8 : i32
      %sub3A_163 = arith.constant 1 : i32
      %sub3A_164 = arith.subi %select_n3A, %sub3A_163 : i32
      %while3A_165 = arith.constant 0 : i32
      %while3A_166 = arith.constant 0 : i32
      %while3A_167 = arith.subi %sub3A_164, %while3A_165 : i32
      %while3A_168 = arith.addi %while3A_165, %while3A_167 : i32
      %while3A_169 = arith.constant 1 : i32
      %while3A_170 = arith.divsi %while3A_167, %while3A_169 : i32
      %while3A_171 = arith.muli %while3A_170, %while3A_169 : i32
      %while3A_172 = arith.addi %while3A_165, %while3A_171 : i32
      %while3A_173 = arith.constant 1 : i32
      %while3A_174 = scf.for %while3A_214 = %while3A_165 to %while3A_172 step %while3A_173 iter_args(%while3A_215 = %while3A_166) -> (i32)  : i32 {
        %jit3A_216 = arith.constant 2 : i32
        %eq3A_217 = arith.constant 0 : i32
        %eq3A_218 = arith.cmpi eq, %jit3A_216, %eq3A_217 : i32
        %jit3A_219 = arith.constant 1 : i32
        %select_n3A_220 = arith.select %eq3A_218, %jit3A_219, %jit3A_216 : i32
        %rem3A_221 = arith.remsi %while3A_214, %select_n3A_220 : i32
        %ne3A_222 = arith.constant 0 : i32
        %ne3A_223 = arith.cmpi ne, %rem3A_221, %ne3A_222 : i32
        %lt3A_224 = arith.constant 0 : i32
        %lt3A_225 = arith.cmpi slt, %rem3A_221, %lt3A_224 : i32
        %lt3A_226 = arith.constant 0 : i32
        %lt3A_227 = arith.cmpi slt, %select_n3A_220, %lt3A_226 : i32
        %ne3A_228 = arith.xori %lt3A_225, %lt3A_227 : i1
        %and3A_229 = arith.andi %ne3A_228, %ne3A_223 : i1
        %add3A_230 = arith.addi %rem3A_221, %select_n3A_220 : i32
        %select_n3A_231 = arith.select %and3A_229, %add3A_230, %rem3A_221 : i32
        %add3A_232 = arith.constant 1 : i32
        %add3A_233 = arith.addi %while3A_214, %add3A_232 : i32
        %sub3A_234 = arith.constant 1 : i32
        %sub3A_235 = arith.subi %sub3A_234, %select_n3A_231 : i32
        %mul3A_236 = arith.constant 128 : i32
        %mul3A_237 = arith.muli %add3A_233, %mul3A_236 : i32
        %dma_start3A_238 = arith.constant 0 : i32
        %dma_start3A_239 = arith.constant 0 : i32
        %dma_start3A_240 = tpu.memref_slice %arg9[%sub3A_235, %dma_start3A_238, %dma_start3A_239] : memref<2x128x128xf32, #tpu.memory_space<vmem>> -> memref<1x128x128xf32, #tpu.memory_space<vmem>>
        %dma_start3A_241 = tpu.memref_squeeze %dma_start3A_240 : memref<1x128x128xf32, #tpu.memory_space<vmem>> -> memref<128x128xf32, #tpu.memory_space<vmem>>
        %dma_start3A_242 = tpu.memref_slice %arg8[%mul3A_237] : memref<16384xi32, #tpu.memory_space<vmem>> -> memref<128xi32, #tpu.memory_space<vmem>>
        %dma_start3A_243 = arith.constant 0 : i32
        %dma_start3A_244 = arith.constant 0 : i32
        %dma_start3A_245 = tpu.memref_slice %arg3[%dma_start3A_243, %dma_start3A_244] : memref<16384x128xf32, #tpu.memory_space<hbm>> -> memref<16384x128xf32, #tpu.memory_space<hbm>>
        tpu.enqueue_indirect_dma source(%dma_start3A_245 : memref<16384x128xf32, #tpu.memory_space<hbm>>) target(%dma_start3A_241 : memref<128x128xf32, #tpu.memory_space<vmem>>) offsets(%dma_start3A_242 : memref<128xi32, #tpu.memory_space<vmem>>) semaphore(%arg11 : memref<!tpu.dma_semaphore, #tpu.memory_space<semaphore_mem>>)
        %dma_start3A_246 = arith.constant 0 : i32
        %dma_start3A_247 = arith.constant 0 : i32
        %dma_start3A_248 = tpu.memref_slice %arg9[%select_n3A_231, %dma_start3A_246, %dma_start3A_247] : memref<2x128x128xf32, #tpu.memory_space<vmem>> -> memref<1x128x128xf32, #tpu.memory_space<vmem>>
        %dma_start3A_249 = tpu.memref_squeeze %dma_start3A_248 : memref<1x128x128xf32, #tpu.memory_space<vmem>> -> memref<128x128xf32, #tpu.memory_space<vmem>>
        %dma_start3A_250 = arith.constant 0 : i32
        %dma_start3A_251 = tpu.memref_slice %arg10[%select_n3A_231, %dma_start3A_250] : memref<2x128xi32, #tpu.memory_space<vmem>> -> memref<1x128xi32, #tpu.memory_space<vmem>>
        %dma_start3A_252 = tpu.memref_squeeze %dma_start3A_251 : memref<1x128xi32, #tpu.memory_space<vmem>> -> memref<128xi32, #tpu.memory_space<vmem>>
        %dma_start3A_253 = arith.constant 0 : i32
        %dma_start3A_254 = arith.constant 0 : i32
        %dma_start3A_255 = tpu.memref_slice %arg4[%dma_start3A_253, %dma_start3A_254] : memref<16384x128xf32, #tpu.memory_space<hbm>> -> memref<16384x128xf32, #tpu.memory_space<hbm>>
        tpu.enqueue_indirect_dma source(%dma_start3A_249 : memref<128x128xf32, #tpu.memory_space<vmem>>) target(%dma_start3A_255 : memref<16384x128xf32, #tpu.memory_space<hbm>>) offsets(%dma_start3A_252 : memref<128xi32, #tpu.memory_space<vmem>>) semaphore(%arg12 : memref<!tpu.dma_semaphore, #tpu.memory_space<semaphore_mem>>)
        %dma_wait3A_256 = arith.constant 0 : i32
        %dma_wait3A_257 = arith.constant 0 : i32
        %dma_wait3A_258 = tpu.memref_slice %arg9[%select_n3A_231, %dma_wait3A_256, %dma_wait3A_257] : memref<2x128x128xf32, #tpu.memory_space<vmem>> -> memref<1x128x128xf32, #tpu.memory_space<vmem>>
        %dma_wait3A_259 = tpu.memref_squeeze %dma_wait3A_258 : memref<1x128x128xf32, #tpu.memory_space<vmem>> -> memref<128x128xf32, #tpu.memory_space<vmem>>
        %dma_wait3A_260 = arith.constant 0 : i32
        %dma_wait3A_261 = tpu.memref_slice %arg10[%select_n3A_231, %dma_wait3A_260] : memref<2x128xi32, #tpu.memory_space<vmem>> -> memref<1x128xi32, #tpu.memory_space<vmem>>
        %dma_wait3A_262 = tpu.memref_squeeze %dma_wait3A_261 : memref<1x128xi32, #tpu.memory_space<vmem>> -> memref<128xi32, #tpu.memory_space<vmem>>
        %dma_wait3A_263 = arith.constant 0 : i32
        %dma_wait3A_264 = arith.constant 0 : i32
        %dma_wait3A_265 = tpu.memref_slice %arg4[%dma_wait3A_263, %dma_wait3A_264] : memref<16384x128xf32, #tpu.memory_space<hbm>> -> memref<16384x128xf32, #tpu.memory_space<hbm>>
        tpu.wait_indirect_dma semaphore(%arg12 : memref<!tpu.dma_semaphore, #tpu.memory_space<semaphore_mem>>) src(%dma_wait3A_259 : memref<128x128xf32, #tpu.memory_space<vmem>>) dst(%dma_wait3A_265 : memref<16384x128xf32, #tpu.memory_space<hbm>>)
        %dma_wait3A_266 = arith.constant 0 : i32
        %dma_wait3A_267 = arith.constant 0 : i32
        %dma_wait3A_268 = tpu.memref_slice %arg9[%sub3A_235, %dma_wait3A_266, %dma_wait3A_267] : memref<2x128x128xf32, #tpu.memory_space<vmem>> -> memref<1x128x128xf32, #tpu.memory_space<vmem>>
        %dma_wait3A_269 = tpu.memref_squeeze %dma_wait3A_268 : memref<1x128x128xf32, #tpu.memory_space<vmem>> -> memref<128x128xf32, #tpu.memory_space<vmem>>
        %dma_wait3A_270 = tpu.memref_slice %arg8[%mul3A_237] : memref<16384xi32, #tpu.memory_space<vmem>> -> memref<128xi32, #tpu.memory_space<vmem>>
        %dma_wait3A_271 = arith.constant 0 : i32
        %dma_wait3A_272 = arith.constant 0 : i32
        %dma_wait3A_273 = tpu.memref_slice %arg3[%dma_wait3A_271, %dma_wait3A_272] : memref<16384x128xf32, #tpu.memory_space<hbm>> -> memref<16384x128xf32, #tpu.memory_space<hbm>>
        tpu.wait_indirect_dma semaphore(%arg11 : memref<!tpu.dma_semaphore, #tpu.memory_space<semaphore_mem>>) src(%dma_wait3A_273 : memref<16384x128xf32, #tpu.memory_space<hbm>>) dst(%dma_wait3A_269 : memref<128x128xf32, #tpu.memory_space<vmem>>)
        %add3A_274 = arith.constant 1 : i32
        %add3A_275 = arith.addi %while3A_214, %add3A_274 : i32
        %sub3A_276 = arith.constant 1 : i32
        %sub3A_277 = arith.subi %sub3A_276, %select_n3A_231 : i32
        %scan3A_278 = arith.constant 0 : i32
        %scan3A_279 = arith.constant 0 : i32
        %scan3A_280 = arith.constant 8 : i32
        %scan3A_281 = arith.addi %scan3A_279, %scan3A_280 : i32
        %scan3A_282 = arith.constant 1 : i32
        %scan3A_283 = scf.for %scan3A_286 = %scan3A_279 to %scan3A_281 step %scan3A_282 iter_args(%scan3A_287 = %scan3A_278) -> (i32)  : i32 {
          %mul3A_288 = arith.constant 128 : i32
          %mul3A_289 = arith.muli %add3A_275, %mul3A_288 : i32
          %mul3A_290 = arith.constant 16 : i32
          %mul3A_291 = arith.muli %scan3A_286, %mul3A_290 : i32
          %add3A_292 = arith.addi %mul3A_289, %mul3A_291 : i32
          %get3A_293 = arith.index_cast %add3A_292 : i32 to index
          %get3A_294 = tpu.vector_load %arg7[%get3A_293] {strides = array<i32>} : memref<16384xi32, #tpu.memory_space<vmem>>, vector<16xi32>,
          %and3A_295 = arith.constant 16383 : i32
          %and3A_296 = vector.broadcast %and3A_295 : i32 to vector<16xi32>
          %and3A_297 = arith.andi %get3A_294, %and3A_296 : vector<16xi32>
          %mul3A_298 = arith.constant 16 : i32
          %mul3A_299 = arith.muli %scan3A_286, %mul3A_298 : i32
          %swap3A = arith.constant 0 : i32
          %swap3A_300 = tpu.memref_slice %arg10[%sub3A_277, %swap3A] : memref<2x128xi32, #tpu.memory_space<vmem>> -> memref<1x128xi32, #tpu.memory_space<vmem>>
          %swap3A_301 = tpu.memref_squeeze %swap3A_300 : memref<1x128xi32, #tpu.memory_space<vmem>> -> memref<128xi32, #tpu.memory_space<vmem>>
          %swap3A_302 = arith.index_cast %mul3A_299 : i32 to index
          %swap3A_303 = tpu.vector_load %swap3A_301[%swap3A_302] {strides = array<i32>} : memref<128xi32, #tpu.memory_space<vmem>>, vector<16xi32>,
          tpu.vector_store %swap3A_301[%swap3A_302], %and3A_297 {strides = array<i32>} : memref<128xi32, #tpu.memory_space<vmem>>, vector<16xi32>,
          %scan3A_304 = arith.constant 0 : i32
          scf.yield %scan3A_304 : i32
        }
        %scan3A_284 = arith.constant 8 : i32
        %while3A_285 = arith.constant 0 : i32
        scf.yield %while3A_285 : i32
      }
      %while3A_175 = arith.constant 1 : i32
      %while3A_176 = scf.for %while3A_214 = %while3A_172 to %while3A_168 step %while3A_175 iter_args(%while3A_215 = %while3A_174) -> (i32)  : i32 {
        %jit3A_216 = arith.constant 2 : i32
        %eq3A_217 = arith.constant 0 : i32
        %eq3A_218 = arith.cmpi eq, %jit3A_216, %eq3A_217 : i32
        %jit3A_219 = arith.constant 1 : i32
        %select_n3A_220 = arith.select %eq3A_218, %jit3A_219, %jit3A_216 : i32
        %rem3A_221 = arith.remsi %while3A_214, %select_n3A_220 : i32
        %ne3A_222 = arith.constant 0 : i32
        %ne3A_223 = arith.cmpi ne, %rem3A_221, %ne3A_222 : i32
        %lt3A_224 = arith.constant 0 : i32
        %lt3A_225 = arith.cmpi slt, %rem3A_221, %lt3A_224 : i32
        %lt3A_226 = arith.constant 0 : i32
        %lt3A_227 = arith.cmpi slt, %select_n3A_220, %lt3A_226 : i32
        %ne3A_228 = arith.xori %lt3A_225, %lt3A_227 : i1
        %and3A_229 = arith.andi %ne3A_228, %ne3A_223 : i1
        %add3A_230 = arith.addi %rem3A_221, %select_n3A_220 : i32
        %select_n3A_231 = arith.select %and3A_229, %add3A_230, %rem3A_221 : i32
        %add3A_232 = arith.constant 1 : i32
        %add3A_233 = arith.addi %while3A_214, %add3A_232 : i32
        %sub3A_234 = arith.constant 1 : i32
        %sub3A_235 = arith.subi %sub3A_234, %select_n3A_231 : i32
        %mul3A_236 = arith.constant 128 : i32
        %mul3A_237 = arith.muli %add3A_233, %mul3A_236 : i32
        %dma_start3A_238 = arith.constant 0 : i32
        %dma_start3A_239 = arith.constant 0 : i32
        %dma_start3A_240 = tpu.memref_slice %arg9[%sub3A_235, %dma_start3A_238, %dma_start3A_239] : memref<2x128x128xf32, #tpu.memory_space<vmem>> -> memref<1x128x128xf32, #tpu.memory_space<vmem>>
        %dma_start3A_241 = tpu.memref_squeeze %dma_start3A_240 : memref<1x128x128xf32, #tpu.memory_space<vmem>> -> memref<128x128xf32, #tpu.memory_space<vmem>>
        %dma_start3A_242 = tpu.memref_slice %arg8[%mul3A_237] : memref<16384xi32, #tpu.memory_space<vmem>> -> memref<128xi32, #tpu.memory_space<vmem>>
        %dma_start3A_243 = arith.constant 0 : i32
        %dma_start3A_244 = arith.constant 0 : i32
        %dma_start3A_245 = tpu.memref_slice %arg3[%dma_start3A_243, %dma_start3A_244] : memref<16384x128xf32, #tpu.memory_space<hbm>> -> memref<16384x128xf32, #tpu.memory_space<hbm>>
        tpu.enqueue_indirect_dma source(%dma_start3A_245 : memref<16384x128xf32, #tpu.memory_space<hbm>>) target(%dma_start3A_241 : memref<128x128xf32, #tpu.memory_space<vmem>>) offsets(%dma_start3A_242 : memref<128xi32, #tpu.memory_space<vmem>>) semaphore(%arg11 : memref<!tpu.dma_semaphore, #tpu.memory_space<semaphore_mem>>)
        %dma_start3A_246 = arith.constant 0 : i32
        %dma_start3A_247 = arith.constant 0 : i32
        %dma_start3A_248 = tpu.memref_slice %arg9[%select_n3A_231, %dma_start3A_246, %dma_start3A_247] : memref<2x128x128xf32, #tpu.memory_space<vmem>> -> memref<1x128x128xf32, #tpu.memory_space<vmem>>
        %dma_start3A_249 = tpu.memref_squeeze %dma_start3A_248 : memref<1x128x128xf32, #tpu.memory_space<vmem>> -> memref<128x128xf32, #tpu.memory_space<vmem>>
        %dma_start3A_250 = arith.constant 0 : i32
        %dma_start3A_251 = tpu.memref_slice %arg10[%select_n3A_231, %dma_start3A_250] : memref<2x128xi32, #tpu.memory_space<vmem>> -> memref<1x128xi32, #tpu.memory_space<vmem>>
        %dma_start3A_252 = tpu.memref_squeeze %dma_start3A_251 : memref<1x128xi32, #tpu.memory_space<vmem>> -> memref<128xi32, #tpu.memory_space<vmem>>
        %dma_start3A_253 = arith.constant 0 : i32
        %dma_start3A_254 = arith.constant 0 : i32
        %dma_start3A_255 = tpu.memref_slice %arg4[%dma_start3A_253, %dma_start3A_254] : memref<16384x128xf32, #tpu.memory_space<hbm>> -> memref<16384x128xf32, #tpu.memory_space<hbm>>
        tpu.enqueue_indirect_dma source(%dma_start3A_249 : memref<128x128xf32, #tpu.memory_space<vmem>>) target(%dma_start3A_255 : memref<16384x128xf32, #tpu.memory_space<hbm>>) offsets(%dma_start3A_252 : memref<128xi32, #tpu.memory_space<vmem>>) semaphore(%arg12 : memref<!tpu.dma_semaphore, #tpu.memory_space<semaphore_mem>>)
        %dma_wait3A_256 = arith.constant 0 : i32
        %dma_wait3A_257 = arith.constant 0 : i32
        %dma_wait3A_258 = tpu.memref_slice %arg9[%select_n3A_231, %dma_wait3A_256, %dma_wait3A_257] : memref<2x128x128xf32, #tpu.memory_space<vmem>> -> memref<1x128x128xf32, #tpu.memory_space<vmem>>
        %dma_wait3A_259 = tpu.memref_squeeze %dma_wait3A_258 : memref<1x128x128xf32, #tpu.memory_space<vmem>> -> memref<128x128xf32, #tpu.memory_space<vmem>>
        %dma_wait3A_260 = arith.constant 0 : i32
        %dma_wait3A_261 = tpu.memref_slice %arg10[%select_n3A_231, %dma_wait3A_260] : memref<2x128xi32, #tpu.memory_space<vmem>> -> memref<1x128xi32, #tpu.memory_space<vmem>>
        %dma_wait3A_262 = tpu.memref_squeeze %dma_wait3A_261 : memref<1x128xi32, #tpu.memory_space<vmem>> -> memref<128xi32, #tpu.memory_space<vmem>>
        %dma_wait3A_263 = arith.constant 0 : i32
        %dma_wait3A_264 = arith.constant 0 : i32
        %dma_wait3A_265 = tpu.memref_slice %arg4[%dma_wait3A_263, %dma_wait3A_264] : memref<16384x128xf32, #tpu.memory_space<hbm>> -> memref<16384x128xf32, #tpu.memory_space<hbm>>
        tpu.wait_indirect_dma semaphore(%arg12 : memref<!tpu.dma_semaphore, #tpu.memory_space<semaphore_mem>>) src(%dma_wait3A_259 : memref<128x128xf32, #tpu.memory_space<vmem>>) dst(%dma_wait3A_265 : memref<16384x128xf32, #tpu.memory_space<hbm>>)
        %dma_wait3A_266 = arith.constant 0 : i32
        %dma_wait3A_267 = arith.constant 0 : i32
        %dma_wait3A_268 = tpu.memref_slice %arg9[%sub3A_235, %dma_wait3A_266, %dma_wait3A_267] : memref<2x128x128xf32, #tpu.memory_space<vmem>> -> memref<1x128x128xf32, #tpu.memory_space<vmem>>
        %dma_wait3A_269 = tpu.memref_squeeze %dma_wait3A_268 : memref<1x128x128xf32, #tpu.memory_space<vmem>> -> memref<128x128xf32, #tpu.memory_space<vmem>>
        %dma_wait3A_270 = tpu.memref_slice %arg8[%mul3A_237] : memref<16384xi32, #tpu.memory_space<vmem>> -> memref<128xi32, #tpu.memory_space<vmem>>
        %dma_wait3A_271 = arith.constant 0 : i32
        %dma_wait3A_272 = arith.constant 0 : i32
        %dma_wait3A_273 = tpu.memref_slice %arg3[%dma_wait3A_271, %dma_wait3A_272] : memref<16384x128xf32, #tpu.memory_space<hbm>> -> memref<16384x128xf32, #tpu.memory_space<hbm>>
        tpu.wait_indirect_dma semaphore(%arg11 : memref<!tpu.dma_semaphore, #tpu.memory_space<semaphore_mem>>) src(%dma_wait3A_273 : memref<16384x128xf32, #tpu.memory_space<hbm>>) dst(%dma_wait3A_269 : memref<128x128xf32, #tpu.memory_space<vmem>>)
        %add3A_274 = arith.constant 1 : i32
        %add3A_275 = arith.addi %while3A_214, %add3A_274 : i32
        %sub3A_276 = arith.constant 1 : i32
        %sub3A_277 = arith.subi %sub3A_276, %select_n3A_231 : i32
        %scan3A_278 = arith.constant 0 : i32
        %scan3A_279 = arith.constant 0 : i32
        %scan3A_280 = arith.constant 8 : i32
        %scan3A_281 = arith.addi %scan3A_279, %scan3A_280 : i32
        %scan3A_282 = arith.constant 1 : i32
        %scan3A_283 = scf.for %scan3A_286 = %scan3A_279 to %scan3A_281 step %scan3A_282 iter_args(%scan3A_287 = %scan3A_278) -> (i32)  : i32 {
          %mul3A_288 = arith.constant 128 : i32
          %mul3A_289 = arith.muli %add3A_275, %mul3A_288 : i32
          %mul3A_290 = arith.constant 16 : i32
          %mul3A_291 = arith.muli %scan3A_286, %mul3A_290 : i32
          %add3A_292 = arith.addi %mul3A_289, %mul3A_291 : i32
          %get3A_293 = arith.index_cast %add3A_292 : i32 to index
          %get3A_294 = tpu.vector_load %arg7[%get3A_293] {strides = array<i32>} : memref<16384xi32, #tpu.memory_space<vmem>>, vector<16xi32>,
          %and3A_295 = arith.constant 16383 : i32
          %and3A_296 = vector.broadcast %and3A_295 : i32 to vector<16xi32>
          %and3A_297 = arith.andi %get3A_294, %and3A_296 : vector<16xi32>
          %mul3A_298 = arith.constant 16 : i32
          %mul3A_299 = arith.muli %scan3A_286, %mul3A_298 : i32
          %swap3A = arith.constant 0 : i32
          %swap3A_300 = tpu.memref_slice %arg10[%sub3A_277, %swap3A] : memref<2x128xi32, #tpu.memory_space<vmem>> -> memref<1x128xi32, #tpu.memory_space<vmem>>
          %swap3A_301 = tpu.memref_squeeze %swap3A_300 : memref<1x128xi32, #tpu.memory_space<vmem>> -> memref<128xi32, #tpu.memory_space<vmem>>
          %swap3A_302 = arith.index_cast %mul3A_299 : i32 to index
          %swap3A_303 = tpu.vector_load %swap3A_301[%swap3A_302] {strides = array<i32>} : memref<128xi32, #tpu.memory_space<vmem>>, vector<16xi32>,
          tpu.vector_store %swap3A_301[%swap3A_302], %and3A_297 {strides = array<i32>} : memref<128xi32, #tpu.memory_space<vmem>>, vector<16xi32>,
          %scan3A_304 = arith.constant 0 : i32
          scf.yield %scan3A_304 : i32
        }
        %scan3A_284 = arith.constant 8 : i32
        %while3A_285 = arith.constant 0 : i32
        scf.yield %while3A_285 : i32
      }
      %sub3A_177 = arith.constant 1 : i32
      %sub3A_178 = arith.subi %select_n3A, %sub3A_177 : i32
      %jit3A_179 = arith.constant 2 : i32
      %eq3A_180 = arith.constant 0 : i32
      %eq3A_181 = arith.cmpi eq, %jit3A_179, %eq3A_180 : i32
      %jit3A_182 = arith.constant 1 : i32
      %select_n3A_183 = arith.select %eq3A_181, %jit3A_182, %jit3A_179 : i32
      %rem3A_184 = arith.remsi %sub3A_178, %select_n3A_183 : i32
      %ne3A_185 = arith.constant 0 : i32
      %ne3A_186 = arith.cmpi ne, %rem3A_184, %ne3A_185 : i32
      %lt3A = arith.constant 0 : i32
      %lt3A_187 = arith.cmpi slt, %rem3A_184, %lt3A : i32
      %lt3A_188 = arith.constant 0 : i32
      %lt3A_189 = arith.cmpi slt, %select_n3A_183, %lt3A_188 : i32
      %ne3A_190 = arith.xori %lt3A_187, %lt3A_189 : i1
      %and3A_191 = arith.andi %ne3A_190, %ne3A_186 : i1
      %add3A_192 = arith.addi %rem3A_184, %select_n3A_183 : i32
      %select_n3A_193 = arith.select %and3A_191, %add3A_192, %rem3A_184 : i32
      %dma_start3A_194 = arith.constant 0 : i32
      %dma_start3A_195 = arith.constant 0 : i32
      %dma_start3A_196 = tpu.memref_slice %arg9[%select_n3A_193, %dma_start3A_194, %dma_start3A_195] : memref<2x128x128xf32, #tpu.memory_space<vmem>> -> memref<1x128x128xf32, #tpu.memory_space<vmem>>
      %dma_start3A_197 = tpu.memref_squeeze %dma_start3A_196 : memref<1x128x128xf32, #tpu.memory_space<vmem>> -> memref<128x128xf32, #tpu.memory_space<vmem>>
      %dma_start3A_198 = arith.constant 0 : i32
      %dma_start3A_199 = tpu.memref_slice %arg10[%select_n3A_193, %dma_start3A_198] : memref<2x128xi32, #tpu.memory_space<vmem>> -> memref<1x128xi32, #tpu.memory_space<vmem>>
      %dma_start3A_200 = tpu.memref_squeeze %dma_start3A_199 : memref<1x128xi32, #tpu.memory_space<vmem>> -> memref<128xi32, #tpu.memory_space<vmem>>
      %dma_start3A_201 = arith.constant 0 : i32
      %dma_start3A_202 = arith.constant 0 : i32
      %dma_start3A_203 = tpu.memref_slice %arg4[%dma_start3A_201, %dma_start3A_202] : memref<16384x128xf32, #tpu.memory_space<hbm>> -> memref<16384x128xf32, #tpu.memory_space<hbm>>
      tpu.enqueue_indirect_dma source(%dma_start3A_197 : memref<128x128xf32, #tpu.memory_space<vmem>>) target(%dma_start3A_203 : memref<16384x128xf32, #tpu.memory_space<hbm>>) offsets(%dma_start3A_200 : memref<128xi32, #tpu.memory_space<vmem>>) semaphore(%arg12 : memref<!tpu.dma_semaphore, #tpu.memory_space<semaphore_mem>>)
      %dma_wait3A_204 = arith.constant 0 : i32
      %dma_wait3A_205 = arith.constant 0 : i32
      %dma_wait3A_206 = tpu.memref_slice %arg9[%select_n3A_193, %dma_wait3A_204, %dma_wait3A_205] : memref<2x128x128xf32, #tpu.memory_space<vmem>> -> memref<1x128x128xf32, #tpu.memory_space<vmem>>
      %dma_wait3A_207 = tpu.memref_squeeze %dma_wait3A_206 : memref<1x128x128xf32, #tpu.memory_space<vmem>> -> memref<128x128xf32, #tpu.memory_space<vmem>>
      %dma_wait3A_208 = arith.constant 0 : i32
      %dma_wait3A_209 = tpu.memref_slice %arg10[%select_n3A_193, %dma_wait3A_208] : memref<2x128xi32, #tpu.memory_space<vmem>> -> memref<1x128xi32, #tpu.memory_space<vmem>>
      %dma_wait3A_210 = tpu.memref_squeeze %dma_wait3A_209 : memref<1x128xi32, #tpu.memory_space<vmem>> -> memref<128xi32, #tpu.memory_space<vmem>>
      %dma_wait3A_211 = arith.constant 0 : i32
      %dma_wait3A_212 = arith.constant 0 : i32
      %dma_wait3A_213 = tpu.memref_slice %arg4[%dma_wait3A_211, %dma_wait3A_212] : memref<16384x128xf32, #tpu.memory_space<hbm>> -> memref<16384x128xf32, #tpu.memory_space<hbm>>
      tpu.wait_indirect_dma semaphore(%arg12 : memref<!tpu.dma_semaphore, #tpu.memory_space<semaphore_mem>>) src(%dma_wait3A_207 : memref<128x128xf32, #tpu.memory_space<vmem>>) dst(%dma_wait3A_213 : memref<16384x128xf32, #tpu.memory_space<hbm>>)
    } else {
    }
    return
  }
}

</mosaic_0001>

<sc_bundles>
// kernel: _sc_update_gather.3.cloned.1.call-start
scs
__scs_entry_jumppad:
0x0: {  	(pc) =	sbr.rel $0x88, $3  }
0x1: {  	(tag) =	ssettag $0x0;
	lr =	simm.s32 $0x1  }
0x2: {  	[smem:$0x3F9F] =	sst lr;
	_ =	strace $0xD0000000  }
0x3: {  	_ = 	snop  }
0x4: {  	_ = 	snop  }
0x5: {  	_ = 	snop  }
0x6: {  	_ = 	snop  }
0x7: {  	_ = 	snop  }
__scs_overlays_trampoline_lowered:
0x8: {  	[smem:$0x3FAE] =	sst s0  }
0x9: {  	[smem:$0x3FAF] =	sst s1  }
0xa: {  	[smem:$0x3FB0] =	sst s2  }
0xb: {  	[smem:$0x3FB1] =	sst s3  }
0xc: {  	[smem:$0x3FB2] =	sst s4  }
0xd: {  	[smem:$0x3FB3] =	sst s5  }
0xe: {  	[smem:$0x3FB4] =	sst s6  }
0xf: {  	[smem:$0x3FB5] =	sst s7  }
0x10: {  	[smem:$0x3FB6] =	sst s8  }
0x11: {  	[smem:$0x3FB7] =	sst s9;
	s0 =	simm.s32 @!p0 $0x0  }
0x12: {  	s1 =	sld [smem:$0x3F9D];
	s0 =	simm.s32 @p0 $0x1  }
0x13: {  	[smem:$0x3FB8] =	sst s0;
	s0 =	simm.s32 @!p1 $0x0  }
0x14: {  	s2 =	sld [smem:$0x3F9C];
	s0 =	simm.s32 @p1 $0x1  }
0x15: {  	[smem:$0x3FB9] =	sst s0;
	s0 =	simm.s32 @!p2 $0x0  }
0x16: {  	s3 =	sld [smem:$0x3FDB];
	s0 =	simm.s32 @p2 $0x1  }
0x17: {  	s4 =	simm.s32 $0x1BF5;
	[smem:$0x3FBB] =	sst s0  }
0x18: {  	s0 =	sld [smem:$0x3F9E];
	_ =	swait.ge [sflag:s4], $0x0  }
0x19: {  	s7 =	sld [smem:$0x3F9F]  }
0x1a: {  	s8 =	sadd.s32 $0xFFFFE003, lr  }
0x1b: {  	s9 =	sadd.s32 $0xFFFFFEF7, lr;
	s5 =	simm.s32 $0xFFFFFFFF;
	p2 =	slt.u32 s8, $0xFFFFF086  }
0x1c: {  	p1 =	slt.u32 s9, $0xF7A;
	s5 =	simm.s32 @!p2 $0x0  }
0x1d: {  	s5 =	simm.s32 @p1 $0x1;
	p0 =	seq.s32 s7, s2  }
0x1e: {  	s7 =	smul.u32 @!p0 $0xF7A, s2;
	p2 =	seq.s32 @!p0 s5, $0x0  }
0x1f: {  	s9 =	smul.u32 $0xF7A, s1;
	s8 =	simm.s32 @!p0 $0x1BF5;
	p2 =	por !p2, p0  }
0x20: {  	[sflag:s8] =	ssyncset.s32 @!p0 $0xFFFFF086;
	s6 =	sadd.s32 @!p0 s3, s7;
	s7 =	simm.s32 @!p0 $0x108  }
0x21: {  	s3 =	sadd.s32 s3, s9;
	s6 =	sadd.s32 @!p0 $0x88, s6;
	s7 =	simm.s32 @p2 $0x1082  }
0x22: {  	[simem:s7], [sflag:s8] =	dma.local @!p0 [hbm:s6], $0xF7A  }
0x23: {  	s9 =	sor.u32 $0xD0000000, s2;
	s6 =	simm.s32 $0x108;
	_ =	swait.ge @!p0 [sflag:s8], $0x0  }
0x24: {  	s3 =	sadd.s32 $0x88, s3;
	s6 =	simm.s32 @!p1 $0x1082;
	[sflag:s4] =	ssyncset.s32 $0xFFFFF086  }
0x25: {  	[simem:s6], [sflag:s4] =	dma.local [hbm:s3], $0xF7A  }
0x26: {  	[smem:$0x3F9F] =	sst s1;
	(tag) =	ssettag s2;
	_ =	strace s9  }
0x27: {  	s1 =	sld [smem:$0x3FAF]  }
0x28: {  	s2 =	sld [smem:$0x3FB0]  }
0x29: {  	s4 =	sld [smem:$0x3FB2]  }
0x2a: {  	p0 =	seq.s32 s5, $0x0;
	s5 =	sld [smem:$0x3FB3]  }
0x2b: {  	s6 =	sld [smem:$0x3FB4]  }
0x2c: {  	s7 =	sld [smem:$0x3FB5]  }
0x2d: {  	s3 =	simm.s32 $0x108;
	s8 =	sld [smem:$0x3FB6]  }
0x2e: {  	s3 =	simm.s32 @!p0 $0x1082;
	s9 =	sld [smem:$0x3FB7]  }
0x2f: {  	lr =	sadd.s32 s0, s3;
	s0 =	sld [smem:$0x3FAE]  }
0x30: {  	s3 =	sld [smem:$0x3FB1]  }
0x31: {  	[smem:$0x3FBA] =	sst s10  }
0x32: {  	s10 =	sld [smem:$0x3FB8];
	_ =	sdelay $0x3  }
0x33: {  	p0 =	seq.s32 s10, $0x1;
	s10 =	sld [smem:$0x3FBA];
	_ =	sdelay $0x3  }
0x34: {  	[smem:$0x3FBA] =	sst s10  }
0x35: {  	s10 =	sld [smem:$0x3FB9];
	_ =	sdelay $0x3  }
0x36: {  	p1 =	seq.s32 s10, $0x1;
	s10 =	sld [smem:$0x3FBA];
	_ =	sdelay $0x3  }
0x37: {  	[smem:$0x3FBA] =	sst s10  }
0x38: {  	s10 =	sld [smem:$0x3FBB]  }
0x39: {  	_ = 	snop;
	(pc) =	sbr.ind lr, $3  }
0x3a: {  	_ = 	snop  }
0x3b: {  	_ = 	snop  }
0x3c: {  	p2 =	seq.s32 s10, $0x1;
	s10 =	sld [smem:$0x3FBA]  }
0x3d: {  	_ =	shalt  }
0x3e: {  	_ =	shalt  }
0x3f: {  	_ =	shalt  }
0x40: {  	_ =	shalt  }
0x41: {  	_ =	shalt  }
0x42: {  	_ =	shalt  }
0x43: {  	_ =	shalt  }
0x44: {  	_ =	shalt  }
0x45: {  	_ =	shalt  }
0x46: {  	_ =	shalt  }
0x47: {  	_ =	shalt  }
0x48: {  	_ =	shalt  }
0x49: {  	_ =	shalt  }
0x4a: {  	_ =	shalt  }
0x4b: {  	_ =	shalt  }
0x4c: {  	_ =	shalt  }
0x4d: {  	_ =	shalt  }
0x4e: {  	_ =	shalt  }
0x4f: {  	_ =	shalt  }
0x50: {  	_ =	shalt  }
0x51: {  	_ =	shalt  }
0x52: {  	_ =	shalt  }
0x53: {  	_ =	shalt  }
0x54: {  	_ =	shalt  }
0x55: {  	_ =	shalt  }
0x56: {  	_ =	shalt  }
0x57: {  	_ =	shalt  }
0x58: {  	_ =	shalt  }
0x59: {  	_ =	shalt  }
0x5a: {  	_ =	shalt  }
0x5b: {  	_ =	shalt  }
0x5c: {  	_ =	shalt  }
0x5d: {  	_ =	shalt  }
0x5e: {  	_ =	shalt  }
0x5f: {  	_ =	shalt  }
0x60: {  	_ =	shalt  }
0x61: {  	_ =	shalt  }
0x62: {  	_ =	shalt  }
0x63: {  	_ =	shalt  }
0x64: {  	_ =	shalt  }
0x65: {  	_ =	shalt  }
0x66: {  	_ =	shalt  }
0x67: {  	_ =	shalt  }
0x68: {  	_ =	shalt  }
0x69: {  	_ =	shalt  }
0x6a: {  	_ =	shalt  }
0x6b: {  	_ =	shalt  }
0x6c: {  	_ =	shalt  }
0x6d: {  	_ =	shalt  }
0x6e: {  	_ =	shalt  }
0x6f: {  	_ =	shalt  }
0x70: {  	_ =	shalt  }
0x71: {  	_ =	shalt  }
0x72: {  	_ =	shalt  }
0x73: {  	_ =	shalt  }
0x74: {  	_ =	shalt  }
0x75: {  	_ =	shalt  }
0x76: {  	_ =	shalt  }
0x77: {  	_ =	shalt  }
0x78: {  	_ =	shalt  }
0x79: {  	_ =	shalt  }
0x7a: {  	_ =	shalt  }
0x7b: {  	_ =	shalt  }
0x7c: {  	_ =	shalt  }
0x7d: {  	_ =	shalt  }
0x7e: {  	_ =	shalt  }
0x7f: {  	_ =	shalt  }
0x80: {  	_ =	shalt  }
0x81: {  	_ =	shalt  }
0x82: {  	_ =	shalt  }
0x83: {  	_ =	shalt  }
0x84: {  	_ =	shalt  }
0x85: {  	_ =	shalt  }
0x86: {  	_ =	shalt  }
0x87: {  	_ =	shalt  }
.Lfunc_end0:
.L_simem_size_0:
called_computation_lowered:
.L_overlay_start_0:
0x88: {  	s2 =	sld [smem:$0x3FD9]  }
0x89: {  	s3 =	sld [smem:$0x3FFE];
	_ =	sdelay $0x1  }
0x8a: {  	s1 =	srdreg.scid  }
0x8b: {  	s0 =	sand.u32 $0x1, s1  }
0x8c: {  	s18 =	sshll.u32 s0, $0xA;
	s2 =	sadd.s32 s3, s2  }
0x8d: {  	s2 =	sadd.s32 s2, s18  }
0x8e: {  	[smem:$0x3FC6] =	sst s2  }
0x8f: {  	_ = 	snop  }
0x90: {  	s2 =	sld [smem:$0x3FC9]  }
0x91: {  	s19 =	sld [smem:$0x3FC8]  }
0x92: {  	s4 =	sld [smem:$0x3FD0];
	(tm) =	ssettm $0x1  }
0x93: {  	s5 =	sld [smem:$0x3FFB];
	_ =	sdelay $0x3  }
0x94: {  	_ =	strace s5  }
0x95: {  	s5 =	sld [smem:$0x3FFC];
	_ =	sdelay $0x3  }
0x96: {  	_ =	strace s5  }
0x97: {  	s5 =	sld [smem:$0x3FFD];
	_ =	sdelay $0x3  }
0x98: {  	_ =	strace s5  }
0x99: {  	_ =	strace $0x8FFFFFFF  }
0x9a: {  	s20 =	sld [smem:$0x3FDB];
	_ =	sdelay $0x1  }
0x9b: {  	s6 =	simm.s32 $_scs_section_size  }
0x9c: {  	s7 =	simm.s32 $_size__tile_overlayer_lowered;
	s8 =	simm.s32 $_tile_overlayer_lowered  }
0x9d: {  	s23 =	simm.s32 $0x1BFF;
	s22 =	sshll.u32 s8, $0x1;
	s5 =	sadd.s32 s6, s20  }
0x9e: {  	s9 =	simm.s32 $0x0;
	s21 =	sshll.u32 s7, $0x1;
	s7 =	sadd.s32 s22, s5  }
0x9f: {  	[timem:s9], [sflag:s23] =	dma.local [hbm:s7], s21  }
0xa0: {  	_ =	swait.ge [sflag:s23], s21  }
0xa1: {  	s6 =	ssub.s32 $0x0, s21;
	[sflag:s23] =	ssyncset.done $0x0  }
0xa2: {  	[sflag:s23] =	ssyncadd.s32 s6;
	_ =	sdelay $0x1  }
0xa3: {  	s24 =	simm.s32 $0x1B8B  }
0xa4: {  	_ =	swait.ge [sflag:s24], $0x1  }
0xa5: {  	[sflag:s24] =	ssyncset.done $0x0  }
0xa6: {  	s25 =	simm.s32 $0x1B8E;
	[sflag:s24] =	ssyncadd.s32 $0xFFFFFFFF  }
0xa7: {  	s26 =	simm.s32 $execute0_lowered;
	[smem:$0x3FD2] =	sst s25  }
0xa8: {  	s6 =	sshll.u32 s26, $0x1;
	_ =	strace $0x80000046;
	[dreg:$0x1] =	wrdreg $0xFFFFFFFF  }
0xa9: {  	s28 =	simm.s32 $_size_execute0_lowered;
	s5 =	sadd.s32 s5, s6;
	[dreg:$0x0] =	wrdreg $0x0  }
0xaa: {  	s6 =	sshll.u32 s28, $0x1;
	[dreg:$0x2] =	wrdreg s5  }
0xab: {  	[dreg:$0x3] =	wrdreg s6  }
0xac: {  	[dreg:$0x4] =	wrdreg $0xC0  }
0xad: {  	_ =	task [dreg:s9], $0x5FFFF  }
0xae: {  	[dreg:$0x1] =	wrdreg $0xFFFFFFFF  }
0xaf: {  	[dreg:$0x0] =	wrdreg $0x60  }
0xb0: {  	[dreg:$0x2] =	wrdreg s2  }
0xb1: {  	[dreg:$0x3] =	wrdreg s19  }
0xb2: {  	[dreg:$0x4] =	wrdreg s4  }
0xb3: {  	[dreg:$0x5] =	wrdreg $0x9  }
0xb4: {  	_ =	task.clear_ibuf [dreg:s9], $0x6FFFF;
	_ =	strace $0x90000046  }
0xb5: {  	s29 =	simm.s32 $0x9;
	_ =	strace $0x80000048  }
0xb6: {  	_ =	swait.ge [sflag:s29], $0x1  }
0xb7: {  	[sflag:s29] =	ssyncadd.s32 $0xFFFFFFFF  }
0xb8: {  	_ =	strace $0x90000048  }
0xb9: {  	_ =	sfence  }
0xba: {  	s30 =	sld [smem:$0x0];
	_ =	sdelay $0x2  }
0xbb: {  	s31 =	sshll.u32 s1, $0xD;
	s1 =	sshrl.u32 s1, $0x2  }
0xbc: {  	s3 =	sand.u32 $0x4000, s31;
	s1 =	sadd.s32 s1, s30  }
0xbd: {  	s0 =	sor.u32 s3, s0;
	s1 =	sshll.u32 s1, $0x11  }
0xbe: {  	s0 =	sor.u32 s1, s0  }
0xbf: {  	s0 =	sadd.s32 $0x8F2B, s0  }
0xc0: {  	[sflag:s0] =	ssyncadd.remote.s32 $0x1  }
0xc1: {  	_ =	sfence.sel $0xFFFF  }
0xc2: {  	[dreg:$0x0] =	wrdreg $0xFFFFFFFF;
	(pc) =	sbr.abs _section_cstart, $3  }
0xc3: {  	[dreg:$0x1] =	wrdreg $0xFFFFFFFF  }
0xc4: {  	_ =	task.clear_ibuf [dreg:s9], $0x2FFFF;
	_ =	strace $0x9FFFFFFF  }
0xc5: {  	(tm) =	ssettm $0x7FFFFFFF  }
tec
execute0_lowered:
.L_overlay_start_1:
0x0: {  	(tag) =	ssettag $0x1  }
0x1: {  	s1 =	rddreg [dreg:$0x0]  }
0x2: {  	s2 =	rddreg [dreg:$0x1]  }
0x3: {  	s0 =	srdreg.scid;
	s4 =	rddreg [dreg:$0x2]  }
0x4: {  	s3 =	rddreg [dreg:$0x3];
	_ =	strace $0x80000047;
	s10 =	simm.s32 $0x80  }
0x5: {  	v0 =	vimm.s32 $0xFFEDCBA9;
	v1 =	vimm.s32 $0x87654321;
	s11 =	simm.s32 $0xFA28;
	s5 =	sand.u32 $0x1, s0;
	s0 =	stileid.u32  }
.Ltmp0:
0x6: {  	s12 =	simm.s32 $0x13A28;
	v0 =	vunpack.c.l.s4.s8 v0;
	v1 =	vunpack.c.l.s4.s8 v1;
	s8 =	sshll.u32 s0, $0x1;
	(pc) =	sbr.rel .LBB2_1-.Ltmp0, $4  }
0x7: {  	s13 =	simm.s32 $0x2;
	s6 =	ssub.s32 $0x2, s5;
	s5 =	sor.u32 s5, s8  }
0x8: {  	s14 =	simm.s32 $0x0;
	s7 =	sshrl.u32 s6, $0x1;
	v3 =	vunpack.c.0.s8.s32 v0;
	v4 =	vunpack.c.0.s8.s32 v1;
	s9 =	smul.u32 $0x7A12, s5  }
0x9: {  	vm0 =	vmmov $0x1;
	v2 =	vimm.s32 $0x0;
	vm1 =	vcmask $0x3F3C;
	s8 =	simm.s32 $0x1;
	s6 =	ssub.s32 s6, s7;
	s7 =	simm.s32 $0x3  }
0xa: {  	v1 =	vlaneseq.u32;
	s5 =	smax.u32 s6, $0x1;
	s6 =	simm.s32 $0x0;
	v3 =	vcombine.low v4, v3;
	v0 =	vmov s9;
	s9 =	simm.s32 $0x4000  }
.LBB2_21:
0xb: {  	s20 =	simm.s32 $0xFAA8  }
.LBB2_25:
0xc: {  	s19 =	sadd.s32 @p0 $0x80, s20  }
0xd: {  	s28 =	sor.u32 $0x13A28, s21;
	[tilespmem:s18+$0x1BA98] =	vst @p0 v4;
	s17 =	smov.u32 @p0 s19  }
0xe: {  	[tilespmem:s28], [sflag:$0x1] =	stream.indirect.gather [hbm4b:s2+s10], $0x80, s17, s10, $0xb8;
	[tilespmem:$0x1BB28] =	vst v63  }
0xf: {  	s29 =	sor.u32 $0x13A28, s23;
	s30 =	sor.u32 $0x1BA28, s24  }
0x10: {  	[hbm4b:s4+s10] =	stream.indirect.scatter [tilespmem:s29], [sflag:$0x2], $0x80, s30, s10, $0xb8;
	[tilespmem:$0x1BB28] =	vst v63  }
0x11: {  	_ =	swait.ge [sflag:s13], $0x4000  }
0x12: {  	[sflag:s13] =	ssyncset.done $0x0  }
0x13: {  	[sflag:s13] =	ssyncadd.s32 $0xFFFFC000  }
0x14: {  	_ =	swait.ge [sflag:s8], $0x4000  }
0x15: {  	[sflag:s8] =	ssyncset.done $0x0  }
0x16: {  	[sflag:s8] =	ssyncadd.s32 $0xFFFFC000  }
0x17: {  	v4 =	vld [tilespmem:s16+$0xFFFFFF90];
	_ =	sdelay $0x4  }
0x18: {  	s31 =	sshll.u32 s22, $0x7;
	v4 =	vand.u32 $0x3FFF, v4  }
0x19: {  	[tilespmem:s31+$0x1BA28] =	vst v4  }
0x1a: {  	v4 =	vld [tilespmem:s16+$0xFFFFFFA0];
	_ =	sdelay $0x4  }
0x1b: {  	v4 =	vand.u32 $0x3FFF, v4  }
0x1c: {  	[tilespmem:s31+$0x1BA38] =	vst v4  }
0x1d: {  	v4 =	vld [tilespmem:s16+$0xFFFFFFB0];
	_ =	sdelay $0x4  }
0x1e: {  	v4 =	vand.u32 $0x3FFF, v4  }
0x1f: {  	[tilespmem:s31+$0x1BA48] =	vst v4  }
0x20: {  	v4 =	vld [tilespmem:s16+$0xFFFFFFC0];
	_ =	sdelay $0x4  }
0x21: {  	v4 =	vand.u32 $0x3FFF, v4  }
0x22: {  	[tilespmem:s31+$0x1BA58] =	vst v4  }
0x23: {  	v4 =	vld [tilespmem:s16+$0xFFFFFFD0];
	_ =	sdelay $0x4  }
0x24: {  	v4 =	vand.u32 $0x3FFF, v4  }
0x25: {  	[tilespmem:s31+$0x1BA68] =	vst v4  }
0x26: {  	v4 =	vld [tilespmem:s16+$0xFFFFFFE0];
	_ =	sdelay $0x4  }
0x27: {  	v4 =	vand.u32 $0x3FFF, v4  }
0x28: {  	[tilespmem:s31+$0x1BA78] =	vst v4  }
0x29: {  	v4 =	vld [tilespmem:s16+$0xFFFFFFF0];
	_ =	sdelay $0x4  }
0x2a: {  	v4 =	vand.u32 $0x3FFF, v4  }
0x2b: {  	[tilespmem:s31+$0x1BA88] =	vst v4  }
0x2c: {  	v4 =	vld [tilespmem:s16+$0x0];
	_ =	sdelay $0x4  }
0x2d: {  	v4 =	vand.u32 $0x3FFF, v4  }
0x2e: {  	[tilespmem:s31+$0x1BA98] =	vst v4  }
.LBB2_26:
0x2f: {  	s15 =	sand.u32 $0x1, s15  }
0x30: {  	s16 =	sshll.u32 s15, $0xE;
	s15 =	sshll.u32 s15, $0x7  }
0x31: {  	s16 =	sor.u32 $0x13A28, s16;
	s15 =	sor.u32 $0x1BA28, s15  }
0x32: {  	[hbm4b:s4+s10] =	stream.indirect.scatter [tilespmem:s16], [sflag:$0x2], $0x80, s15, s10, $0xb8;
	[tilespmem:$0x1BB28] =	vst v63  }
0x33: {  	_ =	swait.ge [sflag:s13], $0x4000  }
0x34: {  	[sflag:s13] =	ssyncset.done $0x0  }
0x35: {  	[sflag:s13] =	ssyncadd.s32 $0xFFFFC000  }
.LBB2_27:
0x36: {  	s14 =	sadd.s32 $0x1, s14  }
0x37: {  	p0 =	sne.s32 s14, s5  }
.Ltmp1:
0x38: {  	_ = 	snop;
	(pc) =	sbr.rel @!p0 .LBB2_28-.Ltmp1, $1  }
0x39: {  	_ =	sdelay $0x3  }
.LBB2_1:
0x3a: {  	[tilespmem:s6], [sflag:$0x3] =	stream.linear.gather [hbm4b:s1+s6], $0x4000, $0x38;
	[tilespmem:$0x1BB28] =	vst v63  }
0x3b: {  	_ =	swait.ge [sflag:s7], $0x4000  }
0x3c: {  	[sflag:s7] =	ssyncset.done $0x0  }
0x3d: {  	s15 =	simm.s32 $0x40;
	[sflag:s7] =	ssyncadd.s32 $0xFFFFC000  }
0x3e: {  	v4 =	vld [tilespmem:s15+$0xFFFFFFC0];
	_ =	sdelay $0x4  }
0x3f: {  	v4 =	vsub.s32 v4, v0  }
0x40: {  	vm2 =	vlt.u32 v4, $0x7A12;
	vm3 =	vgt.s32 v4, $0x0  }
0x41: {  	v4 =	vnsel vm3, $0x0, v4;
	v5 =	vmpcnt.ones.xlane vm2  }
0x42: {  	v4 =	vmin.u32 v4, $0x7A11  }
0x43: {  	s16 =	simm.s32 $0x0;
	v4 =	vshll.u32 v4, $0xE;
	(v2sf) =	vpush v5, $0x0  }
0x44: {  	v4 =	vadd.s32 s16, v4  }
0x45: {  	v4 =	vadd.s32 v1, v4  }
0x46: {  	[tilespmem:s6+$0xBA28] =	vst.msk vm2, v4  }
0x47: {  	v4 =	vld [tilespmem:s15+$0xFFFFFFD0];
	_ =	sdelay $0x4  }
0x48: {  	v4 =	vsub.s32 v4, v0  }
0x49: {  	vm2 =	vlt.u32 v4, $0x7A12  }
0x4a: {  	vm3 =	vgt.s32 v4, $0x0;
	v5 =	vmpcnt.ones.xlane vm2  }
0x4b: {  	v4 =	vnsel vm3, $0x0, v4  }
0x4c: {  	v4 =	vmin.u32 v4, $0x7A11;
	(v2sf) =	vpush v5, $0x0  }
0x4d: {  	s18 =	simm.s32 $0x10;
	v4 =	vshll.u32 v4, $0xE  }
0x4e: {  	v4 =	vadd.s32 s18, v4;
	s19 =	spop (v2sf)  }
0x4f: {  	v4 =	vadd.s32 v1, v4;
	s16 =	sadd.s32 $0x0, s19  }
0x50: {  	[tilespmem:s16+$0xBA28] =	vst.msk vm2, v4  }
0x51: {  	v4 =	vld [tilespmem:s15+$0xFFFFFFE0];
	_ =	sdelay $0x4  }
0x52: {  	v4 =	vsub.s32 v4, v0  }
0x53: {  	vm2 =	vlt.u32 v4, $0x7A12;
	vm3 =	vgt.s32 v4, $0x0  }
0x54: {  	v4 =	vnsel vm3, $0x0, v4;
	v5 =	vmpcnt.ones.xlane vm2  }
0x55: {  	v4 =	vmin.u32 v4, $0x7A11  }
0x56: {  	s17 =	simm.s32 $0x20;
	v4 =	vshll.u32 v4, $0xE;
	(v2sf) =	vpush v5, $0x0  }
0x57: {  	v4 =	vadd.s32 s17, v4;
	s20 =	spop (v2sf)  }
0x58: {  	s16 =	sadd.s32 s16, s20;
	v4 =	vadd.s32 v1, v4  }
0x59: {  	[tilespmem:s16+$0xBA28] =	vst.msk vm2, v4  }
0x5a: {  	v4 =	vld [tilespmem:s15+$0xFFFFFFF0];
	_ =	sdelay $0x4  }
0x5b: {  	v4 =	vsub.s32 v4, v0  }
0x5c: {  	vm2 =	vlt.u32 v4, $0x7A12  }
0x5d: {  	vm3 =	vgt.s32 v4, $0x0;
	v5 =	vmpcnt.ones.xlane vm2  }
0x5e: {  	v4 =	vnsel vm3, $0x0, v4  }
0x5f: {  	v4 =	vmin.u32 v4, $0x7A11;
	(v2sf) =	vpush v5, $0x0  }
0x60: {  	s21 =	simm.s32 $0x30;
	v4 =	vshll.u32 v4, $0xE  }
0x61: {  	v4 =	vadd.s32 s21, v4;
	s22 =	spop (v2sf)  }
0x62: {  	v4 =	vadd.s32 v1, v4;
	s16 =	sadd.s32 s16, s22  }
0x63: {  	[tilespmem:s16+$0xBA28] =	vst.msk vm2, v4  }
0x64: {  	v4 =	vld [tilespmem:s15+$0x0];
	_ =	sdelay $0x4  }
0x65: {  	v4 =	vsub.s32 v4, v0  }
0x66: {  	vm2 =	vlt.u32 v4, $0x7A12;
	vm3 =	vgt.s32 v4, $0x0  }
0x67: {  	v4 =	vnsel vm3, $0x0, v4;
	v5 =	vmpcnt.ones.xlane vm2  }
0x68: {  	v4 =	vmin.u32 v4, $0x7A11  }
0x69: {  	s23 =	simm.s32 $0x40;
	v4 =	vshll.u32 v4, $0xE;
	(v2sf) =	vpush v5, $0x0  }
0x6a: {  	v4 =	vadd.s32 s23, v4;
	s24 =	spop (v2sf)  }
0x6b: {  	s16 =	sadd.s32 s16, s24;
	v4 =	vadd.s32 v1, v4  }
0x6c: {  	[tilespmem:s16+$0xBA28] =	vst.msk vm2, v4  }
0x6d: {  	v4 =	vld [tilespmem:s15+$0x10];
	_ =	sdelay $0x4  }
0x6e: {  	v4 =	vsub.s32 v4, v0  }
0x6f: {  	vm2 =	vlt.u32 v4, $0x7A12  }
0x70: {  	vm3 =	vgt.s32 v4, $0x0;
	v5 =	vmpcnt.ones.xlane vm2  }
0x71: {  	v4 =	vnsel vm3, $0x0, v4  }
0x72: {  	v4 =	vmin.u32 v4, $0x7A11;
	(v2sf) =	vpush v5, $0x0  }
0x73: {  	s25 =	simm.s32 $0x50;
	v4 =	vshll.u32 v4, $0xE  }
0x74: {  	v4 =	vadd.s32 s25, v4;
	s26 =	spop (v2sf)  }
0x75: {  	v4 =	vadd.s32 v1, v4;
	s16 =	sadd.s32 s16, s26  }
0x76: {  	[tilespmem:s16+$0xBA28] =	vst.msk vm2, v4  }
0x77: {  	v4 =	vld [tilespmem:s15+$0x20];
	_ =	sdelay $0x4  }
0x78: {  	v4 =	vsub.s32 v4, v0  }
0x79: {  	vm2 =	vlt.u32 v4, $0x7A12;
	vm3 =	vgt.s32 v4, $0x0  }
0x7a: {  	v4 =	vnsel vm3, $0x0, v4;
	v5 =	vmpcnt.ones.xlane vm2  }
0x7b: {  	v4 =	vmin.u32 v4, $0x7A11  }
0x7c: {  	s28 =	simm.s32 $0x60;
	v4 =	vshll.u32 v4, $0xE;
	(v2sf) =	vpush v5, $0x0  }
0x7d: {  	v4 =	vadd.s32 s28, v4;
	s29 =	spop (v2sf)  }
0x7e: {  	s16 =	sadd.s32 s16, s29;
	v4 =	vadd.s32 v1, v4  }
0x7f: {  	[tilespmem:s16+$0xBA28] =	vst.msk vm2, v4  }
0x80: {  	v4 =	vld [tilespmem:s15+$0x30];
	_ =	sdelay $0x4  }
0x81: {  	v4 =	vsub.s32 v4, v0  }
0x82: {  	vm2 =	vlt.u32 v4, $0x7A12  }
0x83: {  	vm3 =	vgt.s32 v4, $0x0;
	v5 =	vmpcnt.ones.xlane vm2  }
0x84: {  	v4 =	vnsel vm3, $0x0, v4  }
0x85: {  	v4 =	vmin.u32 v4, $0x7A11;
	(v2sf) =	vpush v5, $0x0  }
0x86: {  	s30 =	simm.s32 $0x70;
	v4 =	vshll.u32 v4, $0xE  }
0x87: {  	v4 =	vadd.s32 s30, v4;
	s31 =	spop (v2sf)  }
0x88: {  	v4 =	vadd.s32 v1, v4;
	s18 =	sadd.s32 s16, s31  }
0x89: {  	s15 =	simm.s32 $0xC0;
	[tilespmem:s18+$0xBA28] =	vst.msk vm2, v4  }
0x8a: {  	v4 =	vld [tilespmem:s15+$0xFFFFFFC0];
	_ =	sdelay $0x4  }
0x8b: {  	v4 =	vsub.s32 v4, v0  }
0x8c: {  	vm3 =	vgt.s32 v4, $0x0  }
0x8d: {  	vm2 =	vlt.u32 v4, $0x7A12;
	v4 =	vnsel vm3, $0x0, v4  }
0x8e: {  	v5 =	vmpcnt.ones.xlane vm2;
	v4 =	vmin.u32 v4, $0x7A11  }
0x8f: {  	s19 =	simm.s32 $0x80;
	v4 =	vshll.u32 v4, $0xE  }
0x90: {  	s17 =	simm.s32 $0x170;
	s16 =	simm.s32 $0xF0;
	(v2sf) =	vpush v5, $0x0;
	v4 =	vadd.s32 s19, v4;
	s19 =	spop (v2sf)  }
.LBB2_2:
0x91: {  	p0 =	sne.s32 s17, $0x3FF0  }
0x92: {  	v4 =	vadd.s32 v1, v4;
	s19 =	sadd.s32 s18, s19;
	s18 =	smov.u32 s17;
	s17 =	sadd.s32 $0x80, s17  }
0x93: {  	[tilespmem:s19+$0xBA28] =	vst.msk vm2, v4  }
0x94: {  	v4 =	vld [tilespmem:s15+$0xFFFFFFD0];
	_ =	sdelay $0x4  }
0x95: {  	v4 =	vsub.s32 v4, v0  }
0x96: {  	vm2 =	vlt.u32 v4, $0x7A12;
	vm3 =	vgt.s32 v4, $0x0  }
0x97: {  	v4 =	vnsel vm3, $0x0, v4;
	v5 =	vmpcnt.ones.xlane vm2  }
0x98: {  	v4 =	vmin.u32 v4, $0x7A11  }
0x99: {  	s20 =	sadd.s32 $0xFFFFFFA0, s16;
	v4 =	vshll.u32 v4, $0xE;
	(v2sf) =	vpush v5, $0x0  }
0x9a: {  	v4 =	vadd.s32 s20, v4  }
0x9b: {  	s20 =	spop (v2sf)  }
0x9c: {  	v4 =	vadd.s32 v1, v4;
	s19 =	sadd.s32 s19, s20  }
0x9d: {  	[tilespmem:s19+$0xBA28] =	vst.msk vm2, v4  }
0x9e: {  	v4 =	vld [tilespmem:s15+$0xFFFFFFE0];
	_ =	sdelay $0x4  }
0x9f: {  	v4 =	vsub.s32 v4, v0  }
0xa0: {  	vm2 =	vlt.u32 v4, $0x7A12;
	vm3 =	vgt.s32 v4, $0x0  }
0xa1: {  	v4 =	vnsel vm3, $0x0, v4;
	v5 =	vmpcnt.ones.xlane vm2  }
0xa2: {  	v4 =	vmin.u32 v4, $0x7A11  }
0xa3: {  	s20 =	sadd.s32 $0xFFFFFFB0, s16;
	v4 =	vshll.u32 v4, $0xE;
	(v2sf) =	vpush v5, $0x0  }
0xa4: {  	v4 =	vadd.s32 s20, v4;
	s20 =	spop (v2sf)  }
0xa5: {  	s19 =	sadd.s32 s19, s20;
	v4 =	vadd.s32 v1, v4  }
0xa6: {  	[tilespmem:s19+$0xBA28] =	vst.msk vm2, v4  }
0xa7: {  	v4 =	vld [tilespmem:s15+$0xFFFFFFF0];
	_ =	sdelay $0x4  }
0xa8: {  	v4 =	vsub.s32 v4, v0  }
0xa9: {  	vm2 =	vlt.u32 v4, $0x7A12;
	vm3 =	vgt.s32 v4, $0x0  }
0xaa: {  	v4 =	vnsel vm3, $0x0, v4;
	v5 =	vmpcnt.ones.xlane vm2  }
0xab: {  	v4 =	vmin.u32 v4, $0x7A11  }
0xac: {  	s20 =	sadd.s32 $0xFFFFFFC0, s16;
	v4 =	vshll.u32 v4, $0xE;
	(v2sf) =	vpush v5, $0x0  }
0xad: {  	v4 =	vadd.s32 s20, v4  }
0xae: {  	s20 =	spop (v2sf)  }
0xaf: {  	v4 =	vadd.s32 v1, v4;
	s19 =	sadd.s32 s19, s20  }
0xb0: {  	[tilespmem:s19+$0xBA28] =	vst.msk vm2, v4  }
0xb1: {  	v4 =	vld [tilespmem:s15+$0x0];
	_ =	sdelay $0x4  }
0xb2: {  	v4 =	vsub.s32 v4, v0  }
0xb3: {  	vm2 =	vlt.u32 v4, $0x7A12;
	vm3 =	vgt.s32 v4, $0x0  }
0xb4: {  	v4 =	vnsel vm3, $0x0, v4;
	v5 =	vmpcnt.ones.xlane vm2  }
0xb5: {  	v4 =	vmin.u32 v4, $0x7A11  }
0xb6: {  	s20 =	sadd.s32 $0xFFFFFFD0, s16;
	v4 =	vshll.u32 v4, $0xE;
	(v2sf) =	vpush v5, $0x0  }
0xb7: {  	v4 =	vadd.s32 s20, v4;
	s20 =	spop (v2sf)  }
0xb8: {  	s19 =	sadd.s32 s19, s20;
	v4 =	vadd.s32 v1, v4  }
0xb9: {  	[tilespmem:s19+$0xBA28] =	vst.msk vm2, v4  }
0xba: {  	v4 =	vld [tilespmem:s15+$0x10];
	_ =	sdelay $0x4  }
0xbb: {  	v4 =	vsub.s32 v4, v0  }
0xbc: {  	vm2 =	vlt.u32 v4, $0x7A12;
	vm3 =	vgt.s32 v4, $0x0  }
0xbd: {  	v4 =	vnsel vm3, $0x0, v4;
	v5 =	vmpcnt.ones.xlane vm2  }
0xbe: {  	v4 =	vmin.u32 v4, $0x7A11  }
0xbf: {  	s20 =	sadd.s32 $0xFFFFFFE0, s16;
	v4 =	vshll.u32 v4, $0xE;
	(v2sf) =	vpush v5, $0x0  }
0xc0: {  	v4 =	vadd.s32 s20, v4  }
0xc1: {  	s20 =	spop (v2sf)  }
0xc2: {  	v4 =	vadd.s32 v1, v4;
	s19 =	sadd.s32 s19, s20  }
0xc3: {  	[tilespmem:s19+$0xBA28] =	vst.msk vm2, v4  }
0xc4: {  	v4 =	vld [tilespmem:s15+$0x20];
	_ =	sdelay $0x4  }
0xc5: {  	v4 =	vsub.s32 v4, v0  }
0xc6: {  	vm2 =	vlt.u32 v4, $0x7A12;
	vm3 =	vgt.s32 v4, $0x0  }
0xc7: {  	v4 =	vnsel vm3, $0x0, v4;
	v5 =	vmpcnt.ones.xlane vm2  }
0xc8: {  	v4 =	vmin.u32 v4, $0x7A11  }
0xc9: {  	s20 =	sadd.s32 $0xFFFFFFF0, s16;
	v4 =	vshll.u32 v4, $0xE;
	(v2sf) =	vpush v5, $0x0  }
0xca: {  	v4 =	vadd.s32 s20, v4;
	s20 =	spop (v2sf)  }
0xcb: {  	s19 =	sadd.s32 s19, s20;
	v4 =	vadd.s32 v1, v4  }
0xcc: {  	[tilespmem:s19+$0xBA28] =	vst.msk vm2, v4  }
0xcd: {  	v4 =	vld [tilespmem:s15+$0x30];
	_ =	sdelay $0x4  }
0xce: {  	v4 =	vsub.s32 v4, v0  }
0xcf: {  	vm2 =	vlt.u32 v4, $0x7A12;
	vm3 =	vgt.s32 v4, $0x0  }
0xd0: {  	v4 =	vnsel vm3, $0x0, v4;
	v5 =	vmpcnt.ones.xlane vm2  }
0xd1: {  	v4 =	vmin.u32 v4, $0x7A11  }
0xd2: {  	v4 =	vshll.u32 v4, $0xE;
	(v2sf) =	vpush v5, $0x0  }
0xd3: {  	v4 =	vadd.s32 s16, v4;
	s16 =	smov.u32 s18  }
0xd4: {  	s18 =	spop (v2sf)  }
0xd5: {  	v4 =	vadd.s32 v1, v4;
	s18 =	sadd.s32 s19, s18  }
0xd6: {  	s15 =	sadd.s32 $0x80, s15;
	[tilespmem:s18+$0xBA28] =	vst.msk vm2, v4  }
0xd7: {  	v4 =	vld [tilespmem:s15+$0xFFFFFFC0];
	_ =	sdelay $0x4  }
0xd8: {  	v4 =	vsub.s32 v4, v0  }
.Ltmp2:
0xd9: {  	vm2 =	vlt.u32 v4, $0x7A12;
	vm3 =	vgt.s32 v4, $0x0;
	(pc) =	sbr.rel @p0 .LBB2_2-.Ltmp2, $4  }
0xda: {  	v4 =	vnsel vm3, $0x0, v4;
	v5 =	vmpcnt.ones.xlane vm2  }
0xdb: {  	v4 =	vmin.u32 v4, $0x7A11  }
0xdc: {  	s19 =	sadd.s32 $0xFFFFFF90, s16;
	v4 =	vshll.u32 v4, $0xE;
	(v2sf) =	vpush v5, $0x0  }
0xdd: {  	v4 =	vadd.s32 s19, v4;
	s19 =	spop (v2sf)  }
0xde: {  	v4 =	vadd.s32 v1, v4;
	s17 =	sadd.s32 s18, s19  }
0xdf: {  	[tilespmem:s17+$0xBA28] =	vst.msk vm2, v4  }
0xe0: {  	v4 =	vld [tilespmem:s15+$0xFFFFFFD0];
	_ =	sdelay $0x4  }
0xe1: {  	v4 =	vsub.s32 v4, v0  }
0xe2: {  	vm2 =	vlt.u32 v4, $0x7A12  }
0xe3: {  	vm3 =	vgt.s32 v4, $0x0;
	v5 =	vmpcnt.ones.xlane vm2  }
0xe4: {  	v4 =	vnsel vm3, $0x0, v4  }
0xe5: {  	v4 =	vmin.u32 v4, $0x7A11;
	(v2sf) =	vpush v5, $0x0  }
0xe6: {  	s23 =	sadd.s32 $0xFFFFFFA0, s16;
	v4 =	vshll.u32 v4, $0xE  }
0xe7: {  	v4 =	vadd.s32 s23, v4;
	s24 =	spop (v2sf)  }
0xe8: {  	v4 =	vadd.s32 v1, v4;
	s17 =	sadd.s32 s17, s24  }
0xe9: {  	[tilespmem:s17+$0xBA28] =	vst.msk vm2, v4  }
0xea: {  	v4 =	vld [tilespmem:s15+$0xFFFFFFE0];
	_ =	sdelay $0x4  }
0xeb: {  	v4 =	vsub.s32 v4, v0  }
0xec: {  	vm2 =	vlt.u32 v4, $0x7A12;
	vm3 =	vgt.s32 v4, $0x0  }
0xed: {  	v5 =	vmpcnt.ones.xlane vm2;
	v4 =	vnsel vm3, $0x0, v4  }
0xee: {  	v4 =	vmin.u32 v4, $0x7A11  }
0xef: {  	s25 =	sadd.s32 $0xFFFFFFB0, s16;
	(v2sf) =	vpush v5, $0x0;
	v4 =	vshll.u32 v4, $0xE  }
0xf0: {  	v4 =	vadd.s32 s25, v4;
	s26 =	spop (v2sf)  }
0xf1: {  	s17 =	sadd.s32 s17, s26;
	v4 =	vadd.s32 v1, v4  }
0xf2: {  	[tilespmem:s17+$0xBA28] =	vst.msk vm2, v4  }
0xf3: {  	v4 =	vld [tilespmem:s15+$0xFFFFFFF0];
	_ =	sdelay $0x4  }
0xf4: {  	v4 =	vsub.s32 v4, v0  }
0xf5: {  	vm2 =	vlt.u32 v4, $0x7A12  }
0xf6: {  	vm3 =	vgt.s32 v4, $0x0;
	v5 =	vmpcnt.ones.xlane vm2  }
0xf7: {  	v4 =	vnsel vm3, $0x0, v4  }
0xf8: {  	v4 =	vmin.u32 v4, $0x7A11;
	(v2sf) =	vpush v5, $0x0  }
0xf9: {  	s28 =	sadd.s32 $0xFFFFFFC0, s16;
	v4 =	vshll.u32 v4, $0xE  }
0xfa: {  	v4 =	vadd.s32 s28, v4;
	s29 =	spop (v2sf)  }
0xfb: {  	v4 =	vadd.s32 v1, v4;
	s17 =	sadd.s32 s17, s29  }
0xfc: {  	[tilespmem:s17+$0xBA28] =	vst.msk vm2, v4  }
0xfd: {  	v4 =	vld [tilespmem:s15+$0x0];
	_ =	sdelay $0x4  }
0xfe: {  	v4 =	vsub.s32 v4, v0  }
0xff: {  	vm2 =	vlt.u32 v4, $0x7A12;
	vm3 =	vgt.s32 v4, $0x0  }
0x100: {  	v5 =	vmpcnt.ones.xlane vm2;
	v4 =	vnsel vm3, $0x0, v4  }
0x101: {  	v4 =	vmin.u32 v4, $0x7A11  }
0x102: {  	s30 =	sadd.s32 $0xFFFFFFD0, s16;
	(v2sf) =	vpush v5, $0x0;
	v4 =	vshll.u32 v4, $0xE  }
0x103: {  	v4 =	vadd.s32 s30, v4;
	s31 =	spop (v2sf)  }
0x104: {  	s17 =	sadd.s32 s17, s31;
	v4 =	vadd.s32 v1, v4  }
0x105: {  	[tilespmem:s17+$0xBA28] =	vst.msk vm2, v4  }
0x106: {  	v4 =	vld [tilespmem:s15+$0x10];
	_ =	sdelay $0x4  }
0x107: {  	v4 =	vsub.s32 v4, v0  }
0x108: {  	vm2 =	vlt.u32 v4, $0x7A12  }
0x109: {  	vm3 =	vgt.s32 v4, $0x0;
	v5 =	vmpcnt.ones.xlane vm2  }
0x10a: {  	v4 =	vnsel vm3, $0x0, v4  }
0x10b: {  	v4 =	vmin.u32 v4, $0x7A11;
	(v2sf) =	vpush v5, $0x0  }
0x10c: {  	s19 =	sadd.s32 $0xFFFFFFE0, s16;
	v4 =	vshll.u32 v4, $0xE  }
0x10d: {  	v4 =	vadd.s32 s19, v4;
	s20 =	spop (v2sf)  }
0x10e: {  	v4 =	vadd.s32 v1, v4;
	s17 =	sadd.s32 s17, s20  }
0x10f: {  	[tilespmem:s17+$0xBA28] =	vst.msk vm2, v4  }
0x110: {  	v4 =	vld [tilespmem:s15+$0x20];
	_ =	sdelay $0x4  }
0x111: {  	v4 =	vsub.s32 v4, v0  }
0x112: {  	vm2 =	vlt.u32 v4, $0x7A12;
	vm3 =	vgt.s32 v4, $0x0  }
0x113: {  	v5 =	vmpcnt.ones.xlane vm2;
	v4 =	vnsel vm3, $0x0, v4  }
0x114: {  	v4 =	vmin.u32 v4, $0x7A11  }
0x115: {  	s21 =	sadd.s32 $0xFFFFFFF0, s16;
	(v2sf) =	vpush v5, $0x0;
	v4 =	vshll.u32 v4, $0xE  }
0x116: {  	v4 =	vadd.s32 s21, v4;
	s22 =	spop (v2sf)  }
0x117: {  	s17 =	sadd.s32 s17, s22;
	v4 =	vadd.s32 v1, v4  }
0x118: {  	[tilespmem:s17+$0xBA28] =	vst.msk vm2, v4  }
0x119: {  	v4 =	vld [tilespmem:s15+$0x30];
	_ =	sdelay $0x4  }
0x11a: {  	v4 =	vsub.s32 v4, v0  }
0x11b: {  	vm2 =	vgt.s32 v4, $0x0  }
0x11c: {  	v5 =	vnsel vm2, $0x0, v4  }
0x11d: {  	v5 =	vmin.u32 v5, $0x7A11  }
0x11e: {  	vm2 =	vlt.u32 v4, $0x7A12;
	v5 =	vshll.u32 v5, $0xE  }
0x11f: {  	v4 =	vadd.s32 s16, v5;
	v5 =	vmpcnt.ones.xlane vm2  }
0x120: {  	s23 =	spop (v2sf)  }
0x121: {  	v4 =	vadd.s32 v1, v4;
	s15 =	sadd.s32 s17, s23;
	(v2sf) =	vpush v5, $0x0  }
0x122: {  	[tilespmem:s15+$0xBA28] =	vst.msk vm2, v4  }
0x123: {  	v4 =	vld [tilespmem:$0xBA28];
	_ =	sdelay $0x4  }
0x124: {  	v4 =	vnsel vm0, $0x80000000, v4  }
0x125: {  	v4 =	vxor.u32 $0x80000000, v4  }
0x126: {  	(xrf0) =	vmax.scan.msk.u32 $0xffff, v4;
	_ =	sdelay $0x5  }
0x127: {  	v4, _, _ =	vpop (xrf0);
	s24 =	spop (v2sf)  }
0x128: {  	(v2sf) =	vpush v4, $0xF;
	s17 =	sadd.s32 s15, s24  }
0x129: {  	s18 =	simm.s32 $0x1;
	s19 =	simm.s32 $0x1;
	s15 =	sadd.s32 $0x7F, s17  }
0x12a: {  	s28 =	sand.u32 $0xF, s17;
	s29 =	sshra.s32 s17, $0x1F;
	s25 =	sand.u32 $0x7F, s15  }
0x12b: {  	p5 =	slt.s32 s17, $0x1;
	p0 =	slt.s32 s15, $0x1;
	p1 =	sne.s32 s25, $0x0  }
0x12c: {  	s26 =	sshra.s32 s15, $0x1F;
	p6 =	sne.s32 s28, $0x0;
	p0 =	por !p0, !p1  }
0x12d: {  	s30 =	sshrl.u32 s29, $0x1C;
	s16 =	sshrl.u32 s26, $0x19;
	p0 =	por !p0, !p0  }
0x12e: {  	s15 =	sadd.s32 s16, s15;
	s18 =	simm.s32 @!p0 $0x0;
	p0 =	por !p5, !p6  }
0x12f: {  	s16 =	sadd.s32 s30, s17;
	s15 =	sshra.s32 s15, $0x7;
	p0 =	por !p0, !p0  }
0x130: {  	s31 =	sshra.s32 s16, $0x4;
	s15 =	ssub.s32 s15, s18;
	s19 =	simm.s32 @!p0 $0x0  }
0x131: {  	s16 =	sshll.u32 s15, $0x3;
	s19 =	ssub.s32 s31, s19  }
0x132: {  	p0 =	sge.s32 s19, s16  }
.Ltmp3:
0x133: {  	_ = 	snop;
	(pc) =	sbr.rel @p0 .LBB2_6-.Ltmp3, $2  }
0x134: {  	_ =	sdelay $0x2  }
0x135: {  	v4 =	vmov s17;
	s20 =	spop (v2sf)  }
0x136: {  	s18 =	sshll.u32 s19, $0x6  }
0x137: {  	s18 =	sshra.s32 s18, $0x2  }
0x138: {  	s21 =	sadd.s32 $0xBA28, s18  }
0x139: {  	s18 =	sshll.u32 s19, $0x4;
	s19 =	sadd.s32 $0x1, s19;
	v6 =	vld [tilespmem:s21+$0x0]  }
0x13a: {  	p0 =	slt.s32 s19, s16  }
.Ltmp4:
0x13b: {  	_ = 	snop;
	(pc) =	sbr.rel @!p0 .LBB2_6-.Ltmp4, $4  }
0x13c: {  	s20 =	sxor.u32 $0x80000000, s20;
	v7 =	vor.u32 s18, v1  }
0x13d: {  	v5 =	vmov s20;
	vm2 =	vlt.s32 v7, v4  }
0x13e: {  	v6 =	vsel vm2, v6, v5  }
0x13f: {  	s20 =	sadd.s32 $0x10, s21;
	[tilespmem:s21+$0x0] =	vst v6  }
.LBB2_5:
0x140: {  	v6 =	vld [tilespmem:s20+$0x0];
	s19 =	sadd.s32 $0x1, s19  }
0x141: {  	p0 =	slt.s32 s19, s16  }
.Ltmp5:
0x142: {  	s18 =	sadd.s32 $0x10, s18;
	(pc) =	sbr.rel @p0 .LBB2_5-.Ltmp5, $4  }
0x143: {  	v7 =	vor.u32 s18, v1  }
0x144: {  	vm2 =	vlt.s32 v7, v4  }
0x145: {  	v6 =	vsel vm2, v6, v5  }
0x146: {  	[tilespmem:s20+$0x0] =	vst v6;
	s20 =	sadd.s32 $0x10, s20  }
.LBB2_6:
0x147: {  	s17 =	sadd.s32 $0xF, s17  }
0x148: {  	s18 =	sand.u32 $0xF, s17  }
0x149: {  	s19 =	sshra.s32 s17, $0x1F;
	p0 =	slt.s32 s17, $0x1;
	p1 =	sne.s32 s18, $0x0  }
0x14a: {  	s31 =	sshrl.u32 s19, $0x1C;
	p0 =	por !p0, !p1  }
0x14b: {  	s18 =	simm.s32 $0x1;
	s17 =	sadd.s32 s31, s17;
	p0 =	por !p0, !p0  }
0x14c: {  	s17 =	sshra.s32 s17, $0x4;
	s18 =	simm.s32 @!p0 $0x0  }
0x14d: {  	s18 =	ssub.s32 s17, s18  }
0x14e: {  	p0 =	slt.s32 s18, $0x1  }
.Ltmp6:
0x14f: {  	_ = 	snop;
	(pc) =	sbr.rel @p0 .LBB2_9-.Ltmp6, $1  }
0x150: {  	_ =	sdelay $0x3  }
0x151: {  	p1 =	seq.s32 s18, $0x1  }
.Ltmp7:
0x152: {  	_ = 	snop;
	(pc) =	sbr.rel @p1 .LBB2_8-.Ltmp7, $3  }
0x153: {  	_ =	sdelay $0x1  }
0x154: {  	s19 =	simm.s32 $0xBA28  }
0x155: {  	s17 =	simm.s32 $0x0;
	s18 =	sadd.s32 $0xFFFFFFFF, s18;
	p0 =	por $0x0, $0x0;
	v5 =	vld [tilespmem:s19+$0x0]  }
0x156: {  	_ =	sdelay $0x1  }
0x157: {  	v6 =	vor.u32 s17, v1  }
0x158: {  	vm2 =	vlt.s32 v6, v4  }
0x159: {  	v5 =	vnsel vm2, $0x1E848000, v5  }
0x15a: {  	v6 =	vxor.u32 $0x80000000, v5  }
0x15b: {  	(xrf1) =	vsort.ascd.msk.u32 $0xffff, v6, v5;
	_ =	sdelay $0xd  }
0x15c: {  	v5, _, _ =	vpop (xrf1)  }
0x15d: {  	v6 =	vxor.u32 $0x80000000, v5;
	vm2 =	vgt.s32 v5, $0xFFFFFFFF  }
0x15e: {  	v5 =	vand.u32 $0x3FFF, v5;
	v7 =	vshra.s32 v6, $0x1F;
	vm3 =	vlt.s32 v6, $0x1  }
0x15f: {  	v7 =	vshrl.u32 v7, $0x12;
	vm2 =	vmor vm2, vm3;
	vm3 =	vne.s32 v5, $0x0  }
0x160: {  	v6 =	vadd.s32 v7, v6;
	vm2 =	vmand vm3, vm2  }
0x161: {  	v6 =	vshra.s32 v6, $0xE;
	v7 =	vsel vm2, $0xFFFFFFFF, v2  }
0x162: {  	v6 =	vadd.s32 v7, v6  }
0x163: {  	v7 =	vperm.xlane v6, v3;
	_ =	sdelay $0x1  }
0x164: {  	vm2 =	vne.s32 v6, v7  }
0x165: {  	vm2 =	vmor vm2, vm1;
	_ =	sdelay $0x1  }
0x166: {  	p1 =	seq.s32 s18, $0x1  }
.Ltmp8:
0x167: {  	_ = 	snop;
	(pc) =	sbr.rel @p1 .LBB2_13-.Ltmp8, $3  }
0x168: {  	_ =	sdelay $0x1  }
0x169: {  	s19 =	simm.s32 $0xBA38;
	[tilespmem:v6+s9+$0x0] =	vst.idx.msk vm2, v5  }
0x16a: {  	s20 =	sadd.s32 $0xFFFFFFFF, s18;
	p0 =	por $0x1, $0x1;
	s18 =	simm.s32 $0x0;
	v5 =	vld [tilespmem:s19+$0x0]  }
.LBB2_14:
0x16b: {  	p1 =	seq.s32 s20, $0x1  }
0x16c: {  	s18 =	sadd.s32 $0x10, s18  }
0x16d: {  	v6 =	vor.u32 s18, v1  }
0x16e: {  	vm2 =	vlt.s32 v6, v4  }
0x16f: {  	v5 =	vnsel vm2, $0x1E848000, v5  }
0x170: {  	v6 =	vxor.u32 $0x80000000, v5  }
0x171: {  	(xrf1) =	vsort.ascd.msk.u32 $0xffff, v6, v5;
	_ =	sdelay $0xd  }
0x172: {  	v5, _, _ =	vpop (xrf1)  }
0x173: {  	v6 =	vxor.u32 $0x80000000, v5;
	vm2 =	vgt.s32 v5, $0xFFFFFFFF  }
0x174: {  	v5 =	vand.u32 $0x3FFF, v5;
	v7 =	vshra.s32 v6, $0x1F;
	vm3 =	vlt.s32 v6, $0x1  }
0x175: {  	v7 =	vshrl.u32 v7, $0x12;
	vm2 =	vmor vm2, vm3;
	vm3 =	vne.s32 v5, $0x0  }
0x176: {  	v6 =	vadd.s32 v7, v6;
	vm2 =	vmand vm3, vm2  }
0x177: {  	v6 =	vshra.s32 v6, $0xE;
	v7 =	vsel vm2, $0xFFFFFFFF, v2  }
0x178: {  	v6 =	vadd.s32 v7, v6  }
0x179: {  	v7 =	vperm.xlane v6, v3;
	_ =	sdelay $0x1  }
0x17a: {  	vm2 =	vne.s32 v6, v7  }
0x17b: {  	vm2 =	vmor vm2, vm1;
	_ =	sdelay $0x2  }
.Ltmp9:
0x17c: {  	(pc) =	sbr.rel @!p1 .LBB2_14-.Ltmp9, $3  }
0x17d: {  	_ =	sdelay $0x1  }
0x17e: {  	s19 =	sadd.s32 $0x10, s19;
	[tilespmem:v6+s9+$0x0] =	vst.idx.msk vm2, v5  }
0x17f: {  	s20 =	sadd.s32 $0xFFFFFFFF, s20;
	v5 =	vld [tilespmem:s19+$0x0]  }
.LBB2_15:
0x180: {  	s18 =	sadd.s32 @p0 $0x10, s18  }
0x181: {  	s17 =	smov.u32 @p0 s18  }
0x182: {  	v6 =	vor.u32 s17, v1  }
0x183: {  	vm2 =	vlt.s32 v6, v4  }
0x184: {  	v4 =	vnsel vm2, $0x1E848000, v5  }
0x185: {  	v5 =	vxor.u32 $0x80000000, v4  }
0x186: {  	(xrf1) =	vsort.ascd.msk.u32 $0xffff, v5, v4;
	_ =	sdelay $0xd  }
0x187: {  	v4, _, _ =	vpop (xrf1)  }
0x188: {  	v5 =	vxor.u32 $0x80000000, v4;
	vm2 =	vgt.s32 v4, $0xFFFFFFFF  }
0x189: {  	v4 =	vand.u32 $0x3FFF, v4;
	v62 =	vshra.s32 v5, $0x1F;
	vm3 =	vlt.s32 v5, $0x1  }
0x18a: {  	v6 =	vshrl.u32 v62, $0x12;
	vm2 =	vmor vm2, vm3;
	vm3 =	vne.s32 v4, $0x0  }
0x18b: {  	v5 =	vadd.s32 v6, v5;
	vm2 =	vmand vm3, vm2  }
0x18c: {  	v5 =	vshra.s32 v5, $0xE;
	v63 =	vsel vm2, $0xFFFFFFFF, v2  }
0x18d: {  	v5 =	vadd.s32 v63, v5  }
0x18e: {  	v6 =	vperm.xlane v5, v3;
	_ =	sdelay $0x1  }
0x18f: {  	vm2 =	vne.s32 v5, v6  }
0x190: {  	vm2 =	vmor vm2, vm1;
	_ =	sdelay $0x5  }
0x191: {  	[tilespmem:v5+s9+$0x0] =	vst.idx.msk vm2, v4  }
.LBB2_9:
0x192: {  	p0 =	sgt.s32 s15, $0x0  }
.Ltmp10:
0x193: {  	_ = 	snop;
	(pc) =	sbr.rel @!p0 .LBB2_27-.Ltmp10, $1  }
0x194: {  	_ =	sdelay $0x3  }
0x195: {  	p1 =	sne.s32 s16, $0x1  }
.Ltmp11:
0x196: {  	_ = 	snop;
	(pc) =	sbr.rel @!p1 .LBB2_11-.Ltmp11, $3  }
0x197: {  	_ =	sdelay $0x1  }
0x198: {  	s18 =	simm.s32 $0xBA28  }
0x199: {  	s17 =	simm.s32 $0xFA28;
	s16 =	sadd.s32 $0xFFFFFFFF, s16;
	p0 =	por $0x0, $0x0;
	v4 =	vld [tilespmem:s18+$0x0]  }
0x19a: {  	_ =	sdelay $0x3  }
0x19b: {  	v5 =	vshra.s32 v4, $0x1F;
	v6 =	vand.u32 $0x3FFF, v4  }
0x19c: {  	vm2 =	vlt.s32 v4, $0x1;
	v5 =	vshrl.u32 v5, $0x12;
	vm3 =	vne.s32 v6, $0x0  }
0x19d: {  	v4 =	vadd.s32 v5, v4;
	vm2 =	vmand vm2, vm3  }
0x19e: {  	v4 =	vshra.s32 v4, $0xE;
	v5 =	vsel vm2, $0xFFFFFFFF, v2  }
0x19f: {  	v4 =	vadd.s32 v5, v4;
	_ =	sdelay $0x4  }
0x1a0: {  	v4 =	vld.idx.msk [tilespmem:v4+s9+$0x0], $0xffff  }
0x1a1: {  	p1 =	sne.s32 s16, $0x1  }
.Ltmp12:
0x1a2: {  	_ = 	snop;
	(pc) =	sbr.rel @!p1 .LBB2_17-.Ltmp12, $3  }
0x1a3: {  	_ =	sdelay $0x1  }
0x1a4: {  	s18 =	simm.s32 $0xBA38;
	[tilespmem:s17+$0x0] =	vst v4  }
0x1a5: {  	s19 =	sadd.s32 $0xFFFFFFFF, s16;
	p0 =	por $0x1, $0x1;
	s16 =	simm.s32 $0xFA28;
	v4 =	vld [tilespmem:s18+$0x0]  }
.LBB2_18:
0x1a6: {  	p1 =	sne.s32 s19, $0x1;
	_ =	sdelay $0x3  }
0x1a7: {  	v5 =	vshra.s32 v4, $0x1F;
	v6 =	vand.u32 $0x3FFF, v4  }
0x1a8: {  	vm2 =	vlt.s32 v4, $0x1;
	v5 =	vshrl.u32 v5, $0x12;
	vm3 =	vne.s32 v6, $0x0  }
0x1a9: {  	v4 =	vadd.s32 v5, v4;
	vm2 =	vmand vm2, vm3  }
0x1aa: {  	v4 =	vshra.s32 v4, $0xE;
	v5 =	vsel vm2, $0xFFFFFFFF, v2  }
0x1ab: {  	v4 =	vadd.s32 v5, v4;
	_ =	sdelay $0x4  }
0x1ac: {  	v4 =	vld.idx.msk [tilespmem:v4+s9+$0x0], $0xffff;
	_ =	sdelay $0x2  }
.Ltmp13:
0x1ad: {  	(pc) =	sbr.rel @p1 .LBB2_18-.Ltmp13, $4  }
0x1ae: {  	_ = 	snop  }
0x1af: {  	s16 =	sadd.s32 $0x10, s16  }
0x1b0: {  	s18 =	sadd.s32 $0x10, s18;
	[tilespmem:s16+$0x0] =	vst v4  }
0x1b1: {  	s19 =	sadd.s32 $0xFFFFFFFF, s19;
	v4 =	vld [tilespmem:s18+$0x0]  }
.LBB2_19:
0x1b2: {  	_ =	sdelay $0x3  }
0x1b3: {  	v5 =	vshra.s32 v4, $0x1F;
	v6 =	vand.u32 $0x3FFF, v4  }
0x1b4: {  	vm2 =	vlt.s32 v4, $0x1;
	v5 =	vshrl.u32 v5, $0x12;
	vm3 =	vne.s32 v6, $0x0  }
0x1b5: {  	v4 =	vadd.s32 v5, v4;
	vm2 =	vmand vm2, vm3  }
0x1b6: {  	v4 =	vshra.s32 v4, $0xE;
	v5 =	vsel vm2, $0xFFFFFFFF, v2  }
0x1b7: {  	v4 =	vadd.s32 v5, v4;
	_ =	sdelay $0x4  }
0x1b8: {  	v4 =	vld.idx.msk [tilespmem:v4+s9+$0x0], $0xffff;
	_ =	sdelay $0x2  }
0x1b9: {  	s16 =	sadd.s32 @p0 $0x10, s16  }
0x1ba: {  	s17 =	smov.u32 @p0 s16  }
0x1bb: {  	[tilespmem:s17+$0x0] =	vst v4  }
0x1bc: {  	[tilespmem:s12], [sflag:$0x1] =	stream.indirect.gather [hbm4b:s2+s10], $0x80, s11, s10, $0xb8;
	[tilespmem:$0x1BB28] =	vst v63  }
0x1bd: {  	_ =	swait.ge [sflag:s8], $0x4000  }
0x1be: {  	[sflag:s8] =	ssyncset.done $0x0  }
0x1bf: {  	[sflag:s8] =	ssyncadd.s32 $0xFFFFC000  }
0x1c0: {  	v4 =	vld [tilespmem:$0xBA28]  }
0x1c1: {  	v5 =	vld [tilespmem:$0xBA38]  }
0x1c2: {  	v62 =	vld [tilespmem:$0xBA48]  }
0x1c3: {  	v7 =	vld [tilespmem:$0xBA58]  }
0x1c4: {  	v8 =	vld [tilespmem:$0xBA68]  }
0x1c5: {  	v9 =	vld [tilespmem:$0xBA78];
	v4 =	vand.u32 $0x3FFF, v4  }
0x1c6: {  	[tilespmem:$0x1BA28] =	vst v4;
	v4 =	vand.u32 $0x3FFF, v5;
	v5 =	vld [tilespmem:$0xBA88]  }
0x1c7: {  	v63 =	vld [tilespmem:$0xBA98];
	[tilespmem:$0x1BA38] =	vst v4;
	v4 =	vand.u32 $0x3FFF, v62  }
0x1c8: {  	p0 =	seq.s32 s15, $0x1;
	[tilespmem:$0x1BA48] =	vst v4;
	v4 =	vand.u32 $0x3FFF, v7  }
.Ltmp14:
0x1c9: {  	[tilespmem:$0x1BA58] =	vst v4;
	v4 =	vand.u32 $0x3FFF, v8;
	(pc) =	sbr.rel @p0 .LBB2_26-.Ltmp14, $4  }
0x1ca: {  	[tilespmem:$0x1BA68] =	vst v4;
	v4 =	vand.u32 $0x3FFF, v9  }
0x1cb: {  	[tilespmem:$0x1BA78] =	vst v4;
	v4 =	vand.u32 $0x3FFF, v5  }
0x1cc: {  	[tilespmem:$0x1BA88] =	vst v4;
	v4 =	vand.u32 $0x3FFF, v63  }
0x1cd: {  	s15 =	sadd.s32 $0xFFFFFFFF, s15;
	[tilespmem:$0x1BA98] =	vst v4  }
0x1ce: {  	p1 =	sne.s32 s15, $0x1  }
.Ltmp15:
0x1cf: {  	_ = 	snop;
	(pc) =	sbr.rel @!p1 .LBB2_21-.Ltmp15, $4  }
0x1d0: {  	s18 =	simm.s32 $0x0  }
0x1d1: {  	s17 =	simm.s32 $0xFAA8;
	s16 =	simm.s32 $0xBB18;
	s18 =	sand.u32 $0x1, s18  }
0x1d2: {  	s19 =	simm.s32 $0x1;
	p0 =	por $0x0, $0x0;
	s22 =	sxor.u32 $0x1, s18  }
0x1d3: {  	s23 =	sshll.u32 s18, $0xE;
	s24 =	sshll.u32 s18, $0x7;
	s21 =	sshll.u32 s22, $0xE  }
0x1d4: {  	s18 =	sor.u32 $0x13A28, s21  }
0x1d5: {  	[tilespmem:s18], [sflag:$0x1] =	stream.indirect.gather [hbm4b:s2+s10], $0x80, s17, s10, $0xb8;
	[tilespmem:$0x1BB28] =	vst v63  }
0x1d6: {  	s30 =	sor.u32 $0x13A28, s23;
	s20 =	sor.u32 $0x1BA28, s24  }
0x1d7: {  	[hbm4b:s4+s10] =	stream.indirect.scatter [tilespmem:s30], [sflag:$0x2], $0x80, s20, s10, $0xb8;
	[tilespmem:$0x1BB28] =	vst v63  }
0x1d8: {  	_ =	swait.ge [sflag:s13], $0x4000  }
0x1d9: {  	[sflag:s13] =	ssyncset.done $0x0  }
0x1da: {  	[sflag:s13] =	ssyncadd.s32 $0xFFFFC000  }
0x1db: {  	_ =	swait.ge [sflag:s8], $0x4000  }
0x1dc: {  	[sflag:s8] =	ssyncset.done $0x0  }
0x1dd: {  	[sflag:s8] =	ssyncadd.s32 $0xFFFFC000  }
0x1de: {  	v4 =	vld [tilespmem:s16+$0xFFFFFF90];
	_ =	sdelay $0x4  }
0x1df: {  	s18 =	sshll.u32 s22, $0x7;
	v4 =	vand.u32 $0x3FFF, v4  }
0x1e0: {  	[tilespmem:s18+$0x1BA28] =	vst v4  }
0x1e1: {  	v4 =	vld [tilespmem:s16+$0xFFFFFFA0];
	_ =	sdelay $0x4  }
0x1e2: {  	v4 =	vand.u32 $0x3FFF, v4  }
0x1e3: {  	[tilespmem:s18+$0x1BA38] =	vst v4  }
0x1e4: {  	v4 =	vld [tilespmem:s16+$0xFFFFFFB0];
	_ =	sdelay $0x4  }
0x1e5: {  	v4 =	vand.u32 $0x3FFF, v4  }
0x1e6: {  	[tilespmem:s18+$0x1BA48] =	vst v4  }
0x1e7: {  	v4 =	vld [tilespmem:s16+$0xFFFFFFC0];
	_ =	sdelay $0x4  }
0x1e8: {  	v4 =	vand.u32 $0x3FFF, v4  }
0x1e9: {  	[tilespmem:s18+$0x1BA58] =	vst v4  }
0x1ea: {  	v4 =	vld [tilespmem:s16+$0xFFFFFFD0];
	_ =	sdelay $0x4  }
0x1eb: {  	v4 =	vand.u32 $0x3FFF, v4  }
0x1ec: {  	[tilespmem:s18+$0x1BA68] =	vst v4  }
0x1ed: {  	v4 =	vld [tilespmem:s16+$0xFFFFFFE0];
	_ =	sdelay $0x4  }
0x1ee: {  	v4 =	vand.u32 $0x3FFF, v4  }
0x1ef: {  	[tilespmem:s18+$0x1BA78] =	vst v4  }
0x1f0: {  	v4 =	vld [tilespmem:s16+$0xFFFFFFF0];
	_ =	sdelay $0x4  }
0x1f1: {  	v4 =	vand.u32 $0x3FFF, v4  }
0x1f2: {  	[tilespmem:s18+$0x1BA88] =	vst v4  }
0x1f3: {  	p1 =	sne.s32 s15, $0x2;
	v4 =	vld [tilespmem:s16+$0x0]  }
.Ltmp16:
0x1f4: {  	_ = 	snop;
	(pc) =	sbr.rel @!p1 .LBB2_23-.Ltmp16, $4  }
0x1f5: {  	_ = 	snop  }
0x1f6: {  	s31 =	sand.u32 $0x1, s19;
	s19 =	simm.s32 $0x2;
	p0 =	por $0x1, $0x1  }
0x1f7: {  	s22 =	sxor.u32 $0x1, s31;
	s23 =	sshll.u32 s31, $0xE;
	s24 =	sshll.u32 s31, $0x7  }
0x1f8: {  	s21 =	sshll.u32 s22, $0xE;
	s20 =	simm.s32 $0xFAA8;
	s16 =	simm.s32 $0xBB98;
	v4 =	vand.u32 $0x3FFF, v4  }
.LBB2_24:
0x1f9: {  	s25 =	sor.u32 $0x13A28, s21  }
0x1fa: {  	[tilespmem:s18+$0x1BA98] =	vst v4;
	s20 =	sadd.s32 $0x80, s20;
	s21 =	smov.u32 s19;
	s19 =	sadd.s32 $0x1, s19  }
0x1fb: {  	[tilespmem:s25], [sflag:$0x1] =	stream.indirect.gather [hbm4b:s2+s10], $0x80, s20, s10, $0xb8;
	[tilespmem:$0x1BB28] =	vst v63  }
0x1fc: {  	s18 =	sor.u32 $0x13A28, s23;
	s23 =	sor.u32 $0x1BA28, s24;
	p1 =	sne.s32 s15, s19  }
0x1fd: {  	[hbm4b:s4+s10] =	stream.indirect.scatter [tilespmem:s18], [sflag:$0x2], $0x80, s23, s10, $0xb8;
	[tilespmem:$0x1BB28] =	vst v63  }
0x1fe: {  	_ =	swait.ge [sflag:s13], $0x4000  }
0x1ff: {  	[sflag:s13] =	ssyncset.done $0x0  }
0x200: {  	[sflag:s13] =	ssyncadd.s32 $0xFFFFC000  }
0x201: {  	_ =	swait.ge [sflag:s8], $0x4000  }
0x202: {  	[sflag:s8] =	ssyncset.done $0x0  }
0x203: {  	[sflag:s8] =	ssyncadd.s32 $0xFFFFC000  }
0x204: {  	v4 =	vld [tilespmem:s16+$0xFFFFFF90];
	_ =	sdelay $0x4  }
0x205: {  	s18 =	sshll.u32 s22, $0x7;
	v4 =	vand.u32 $0x3FFF, v4  }
0x206: {  	[tilespmem:s18+$0x1BA28] =	vst v4  }
0x207: {  	v4 =	vld [tilespmem:s16+$0xFFFFFFA0];
	_ =	sdelay $0x4  }
0x208: {  	v4 =	vand.u32 $0x3FFF, v4  }
0x209: {  	[tilespmem:s18+$0x1BA38] =	vst v4  }
0x20a: {  	v4 =	vld [tilespmem:s16+$0xFFFFFFB0];
	_ =	sdelay $0x4  }
0x20b: {  	v4 =	vand.u32 $0x3FFF, v4  }
0x20c: {  	[tilespmem:s18+$0x1BA48] =	vst v4  }
0x20d: {  	v4 =	vld [tilespmem:s16+$0xFFFFFFC0];
	_ =	sdelay $0x4  }
0x20e: {  	v4 =	vand.u32 $0x3FFF, v4  }
0x20f: {  	[tilespmem:s18+$0x1BA58] =	vst v4  }
0x210: {  	v4 =	vld [tilespmem:s16+$0xFFFFFFD0];
	_ =	sdelay $0x4  }
0x211: {  	v4 =	vand.u32 $0x3FFF, v4  }
0x212: {  	[tilespmem:s18+$0x1BA68] =	vst v4  }
0x213: {  	v4 =	vld [tilespmem:s16+$0xFFFFFFE0];
	_ =	sdelay $0x4  }
0x214: {  	v4 =	vand.u32 $0x3FFF, v4  }
0x215: {  	[tilespmem:s18+$0x1BA78] =	vst v4  }
0x216: {  	v4 =	vld [tilespmem:s16+$0xFFFFFFF0];
	_ =	sdelay $0x4  }
0x217: {  	v4 =	vand.u32 $0x3FFF, v4  }
0x218: {  	[tilespmem:s18+$0x1BA88] =	vst v4  }
0x219: {  	v4 =	vld [tilespmem:s16+$0x0]  }
.Ltmp17:
0x21a: {  	(pc) =	sbr.rel @p1 .LBB2_24-.Ltmp17, $4  }
0x21b: {  	_ = 	snop  }
0x21c: {  	s21 =	sand.u32 $0x1, s21  }
0x21d: {  	s24 =	sshll.u32 s21, $0x7;
	s22 =	sxor.u32 $0x1, s21;
	s23 =	sshll.u32 s21, $0xE  }
0x21e: {  	s21 =	sshll.u32 s22, $0xE;
	s16 =	sadd.s32 $0x80, s16;
	v4 =	vand.u32 $0x3FFF, v4  }
.Ltmp18:
0x21f: {  	_ = 	snop;
	(pc) =	sbr.rel .LBB2_25-.Ltmp18, $1  }
0x220: {  	_ =	sdelay $0x3  }
.LBB2_8:
.Ltmp19:
0x221: {  	(pc) =	sbr.rel .LBB2_15-.Ltmp19, $2  }
0x222: {  	_ =	sdelay $0x2  }
0x223: {  	s18 =	simm.s32 $0x0  }
.LBB2_11:
.Ltmp20:
0x224: {  	(pc) =	sbr.rel .LBB2_19-.Ltmp20, $2  }
0x225: {  	_ =	sdelay $0x2  }
0x226: {  	s16 =	simm.s32 $0xFA28  }
.LBB2_13:
.Ltmp21:
0x227: {  	(pc) =	sbr.rel .LBB2_15-.Ltmp21, $2  }
0x228: {  	_ =	sdelay $0x2  }
0x229: {  	s18 =	simm.s32 $0x0  }
.LBB2_17:
.Ltmp22:
0x22a: {  	(pc) =	sbr.rel .LBB2_19-.Ltmp22, $2  }
0x22b: {  	_ =	sdelay $0x2  }
0x22c: {  	s16 =	simm.s32 $0xFA28  }
.LBB2_23:
.Ltmp23:
0x22d: {  	(pc) =	sbr.rel .LBB2_25-.Ltmp23, $2  }
0x22e: {  	_ =	sdelay $0x2  }
0x22f: {  	s20 =	simm.s32 $0xFAA8  }
.LBB2_28:
0x230: {  	_ =	sfence.sel $0x180000  }
0x231: {  	[bflag:$0x0] =	sbarrier.arrive $0xFFFF  }
0x232: {  	p0 =	sne.s32 s0, $0x0;
	_ =	strace $0x90000047  }
0x233: {  	s0 =	sadd.s32 @!p0 $0x100000, s3;
	[bflag:$0x2] =	sbarrier.arrive $0xFFFF  }
0x234: {  	[sflag:s0] =	ssyncadd.tile.s32 @!p0 $0x1;
	_ =	shalt  }
.Lfunc_end2:
_tile_overlayer_lowered:
.L_overlay_start_2:
0x235: {  	(tag) =	ssettag $0x2  }
0x236: {  	s0 =	rddreg [dreg:$0x0];
	s2 =	stileid.u32  }
0x237: {  	s1 =	rddreg [dreg:$0x1];
	p0 =	sne.s32 s2, $0x0  }
0x238: {  	s3 =	rddreg [dreg:$0x2];
	[bflag:$0x3] =	sbarrier.arrive $0xFFFF;
	s2 =	simm.s32 @!p0 $0x1C03  }
0x239: {  	[timem:s3], [sflag:s2] =	dma.local @!p0 [hbm:s0], s1  }
0x23a: {  	s0 =	simm.s32 @!p0 $0x3  }
0x23b: {  	_ =	swait.ge @!p0 [sflag:s0], s1  }
0x23c: {  	s1 =	ssub.s32 @!p0 $0x0, s1;
	[sflag:s0] =	ssyncset.done @!p0 $0x0  }
0x23d: {  	[sflag:s0] =	ssyncadd.s32 @!p0 s1  }
0x23e: {  	[bflag:$0x3] =	sbarrier.arrive $0xFFFF  }
0x23f: {  	_ =	shalt  }

</sc_bundles>
